<compile_context>
chip_gen: v7x
topology: tpu7x:2x2x1
jax: 0.10.2.dev20260603
libtpu: 0.0.44.dev20260713+nightly
codegen_flags: <defaults>
</compile_context>

<pallas_src>
import functools

import jax
import jax.numpy as jnp
from jax import lax
from jax.experimental import pallas as pl
from jax.experimental.pallas import tpu as pltpu
from jax.experimental.pallas import tpu_sc as plsc

N_NODES = 10000
D = 128
N1 = 2048
N2 = 1024
E0 = 320000
E1 = 65536
CW = 16

NC = 2
NS = 16
NW = NC * NS


def _make_sc_agg(n_tgt, n_edges, k, flat_counts):
    chunks_total = n_edges // k
    assert chunks_total * k == n_edges
    chunks_per_w = chunks_total // NW
    assert chunks_per_w * NW == chunks_total and chunks_per_w % 8 == 0
    edges_per_w = n_edges // NW
    assert edges_per_w % CW == 0
    rows_per_tile = n_tgt // NS
    if flat_counts:
        n_cvecs = edges_per_w // CW
        cpc = -(-n_cvecs // chunks_per_w)
    else:
        assert k % CW == 0
        cpc = k // CW

    mesh = plsc.VectorSubcoreMesh(core_axis_name="c", subcore_axis_name="s")

    scratch = [
        pltpu.VMEM((chunks_per_w, k), jnp.int32),
        pltpu.VMEM((chunks_per_w, k), jnp.int32),
        pltpu.VMEM((edges_per_w,), jnp.int32) if flat_counts else None,
        pltpu.VMEM((2, k, D), jnp.float32),
        pltpu.VMEM((n_tgt * CW,), jnp.float32),
        pltpu.VMEM_SHARED((n_tgt, D), jnp.float32),
        [pltpu.SemaphoreType.DMA] * 2,
        [pltpu.SemaphoreType.DMA] * 2,
    ]
    scratch = [s for s in scratch if s is not None]

    def body(src_hbm, dst_hbm, dstf_hbm, x_hbm, zrows_hbm, zcnt_hbm,
             agg_out, cnt_out,
             src_v, dst_v, dstf_v, rows_v, cnt_v, agg_sh, sem_g, sem_s):
        cid = lax.axis_index("c")
        sid = lax.axis_index("s")
        wid = sid * NC + cid
        base_chunk = wid * chunks_per_w

        d_src = pltpu.async_copy(
            src_hbm.at[pl.ds(base_chunk, chunks_per_w)], src_v, sem_g[0])
        d_dst = pltpu.async_copy(
            dst_hbm.at[pl.ds(base_chunk, chunks_per_w)], dst_v, sem_g[1])
        if flat_counts:
            d_dstf = pltpu.async_copy(
                dstf_hbm.at[pl.ds(wid * edges_per_w, edges_per_w)], dstf_v,
                sem_s[0])
        d_zc = pltpu.async_copy(zcnt_hbm, cnt_v, sem_s[1])

        r0 = sid * rows_per_tile
        pltpu.sync_copy(zrows_hbm.at[pl.ds(r0, rows_per_tile)],
                        agg_sh.at[pl.ds(r0, rows_per_tile)])

        d_src.wait()
        d_dst.wait()
        for b in range(2):
            pltpu.async_copy(x_hbm.at[src_v.at[b]], rows_v.at[b], sem_g[b])
        if flat_counts:
            d_dstf.wait()
        d_zc.wait()
        plsc.subcore_barrier()

        lanes = lax.broadcasted_iota(jnp.int32, (CW,), 0)
        ones16 = jnp.ones((CW,), jnp.float32)

        def count_vec(d16):
            plsc.addupdate_scatter(cnt_v, [d16 * CW + lanes], ones16)

        @pl.loop(0, chunks_per_w, step=2)
        def _chunks(c):
            for b in range(2):
                cc = c + b
                pltpu.make_async_copy(
                    x_hbm.at[src_v.at[cc]], rows_v.at[b], sem_g[b]).wait()
                sdesc = pltpu.async_copy(
                    rows_v.at[b], agg_sh.at[dst_v.at[cc]], sem_s[b],
                    add=True)

                for j in range(cpc):
                    if flat_counts:
                        v = cc * cpc + j

                        @pl.when(v < n_cvecs)
                        def _():
                            count_vec(dstf_v[pl.ds(v * CW, CW)])
                    else:
                        count_vec(dst_v[cc, pl.ds(j * CW, CW)])

                sdesc.wait()

                @pl.when(cc + 2 < chunks_per_w)
                def _():
                    pltpu.async_copy(
                        x_hbm.at[src_v.at[cc + 2]], rows_v.at[b], sem_g[b])

        d_cnt = pltpu.async_copy(cnt_v, cnt_out.at[wid], sem_s[1])

        plsc.subcore_barrier()
        pltpu.sync_copy(agg_sh.at[pl.ds(r0, rows_per_tile)],
                        agg_out.at[cid, pl.ds(r0, rows_per_tile)])
        d_cnt.wait()

    if not flat_counts:
        full = body

        def body_no_flat(src_hbm, dst_hbm, x_hbm, zrows_hbm, zcnt_hbm,
                         agg_out, cnt_out,
                         src_v, dst_v, rows_v, cnt_v, agg_sh, sem_g, sem_s):
            full(src_hbm, dst_hbm, None, x_hbm, zrows_hbm, zcnt_hbm,
                 agg_out, cnt_out,
                 src_v, dst_v, None, rows_v, cnt_v, agg_sh, sem_g, sem_s)

        fn = body_no_flat
    else:
        fn = body

    return pl.kernel(
        fn,
        out_type=(
            jax.ShapeDtypeStruct((NC, n_tgt, D), jnp.float32),
            jax.ShapeDtypeStruct((NW, n_tgt * CW), jnp.float32),
        ),
        mesh=mesh,
        compiler_params=pltpu.CompilerParams(needs_layout_passes=False),
        scratch_types=scratch,
    )


def _tc_layer(aggp, cntp, x_tgt, Wl, Wr, b, a):
    n_tgt = aggp.shape[1]

    def body(agg_ref, cnt_ref, x_ref, wl_ref, wr_ref, b_ref, a_ref, o_ref):
        agg = agg_ref[0] + agg_ref[1]
        cnt = jnp.sum(cnt_ref[...].reshape(NW, n_tgt, CW), axis=(0, 2))[:, None]
        mean = agg / jnp.maximum(cnt, 1.0)
        h = jnp.dot(mean, wl_ref[...], preferred_element_type=jnp.float32)
        h = h + jnp.dot(x_ref[...], wr_ref[...],
                        preferred_element_type=jnp.float32)
        h = h + b_ref[...]
        o_ref[...] = jnp.where(h > 0, h, a_ref[...] * h)

    return pl.pallas_call(
        body,
        out_shape=jax.ShapeDtypeStruct((n_tgt, D), jnp.float32),
        grid=(1,),
        in_specs=[
            pl.BlockSpec((NC, n_tgt, D), lambda i: (0, 0, 0)),
            pl.BlockSpec((NW, n_tgt * CW), lambda i: (0, 0)),
            pl.BlockSpec((n_tgt, D), lambda i: (0, 0)),
            pl.BlockSpec((D, D), lambda i: (0, 0)),
            pl.BlockSpec((D, D), lambda i: (0, 0)),
            pl.BlockSpec((1, D), lambda i: (0, 0)),
            pl.BlockSpec((1, D), lambda i: (0, 0)),
        ],
        out_specs=pl.BlockSpec((n_tgt, D), lambda i: (0, 0)),
    )(aggp, cntp, x_tgt, Wl, Wr, b.reshape(1, D), a.reshape(1, D))


K0 = 125
K1 = 128

_sc_agg0 = _make_sc_agg(N1, E0, K0, flat_counts=True)
_sc_agg1 = _make_sc_agg(N2, E1, K1, flat_counts=False)


def kernel(x, src0, dst0, src1, dst1, Wl0, Wr0, b0, a0, Wl1, Wr1, b1, a1):
    src0 = src0.astype(jnp.int32)
    dst0 = dst0.astype(jnp.int32)
    src1 = src1.astype(jnp.int32)
    dst1 = dst1.astype(jnp.int32)

    z0 = jnp.zeros((N1, D), jnp.float32)
    zc0 = jnp.zeros((N1 * CW,), jnp.float32)
    z1 = jnp.zeros((N2, D), jnp.float32)
    zc1 = jnp.zeros((N2 * CW,), jnp.float32)

    agg0, cnt0 = _sc_agg0(src0.reshape(-1, K0), dst0.reshape(-1, K0),
                          dst0, x, z0, zc0)
    h = _tc_layer(agg0, cnt0, x, Wl0, Wr0, b0, a0)
    agg1, cnt1 = _sc_agg1(src1.reshape(-1, K1), dst1.reshape(-1, K1),
                          h, z1, zc1)
    out = _tc_layer(agg1, cnt1, h, Wl1, Wr1, b1, a1)
    return out

# --- scband reference (transcript-rebuilt; emitter-appended) ---
"""Pipeline reference for scband-gconv-12618613915757 (READ-ONLY COPY).

The authoritative reference and input builder live on the scoring server;
editing this copy changes nothing except your own understanding.
"""

import jax, jax.numpy as jnp
import numpy as np

N, D, H = 10000, 128, 128
E0, N1 = 320000, 2048
E1, N2 = 65536, 1024


def setup_inputs(seed: int = 0) -> dict:
    key = jax.random.key(seed)
    ks = jax.random.split(key, 12)
    x = jax.random.normal(ks[0], (N, D), dtype=jnp.float32)
    src0 = jax.random.randint(ks[1], (E0,), 0, N, dtype=jnp.int64)
    dst0 = jax.random.randint(ks[2], (E0,), 0, N1, dtype=jnp.int64)
    src1 = jax.random.randint(ks[3], (E1,), 0, N1, dtype=jnp.int64)
    dst1 = jax.random.randint(ks[4], (E1,), 0, N2, dtype=jnp.int64)
    s = 1.0 / np.sqrt(D)
    Wl0 = jax.random.uniform(ks[5], (D, H), minval=-s, maxval=s, dtype=jnp.float32)
    Wr0 = jax.random.uniform(ks[6], (D, H), minval=-s, maxval=s, dtype=jnp.float32)
    b0 = jax.random.uniform(ks[7], (H,), minval=-s, maxval=s, dtype=jnp.float32)
    a0 = jnp.full((H,), 0.25, dtype=jnp.float32)
    sh = 1.0 / np.sqrt(H)
    Wl1 = jax.random.uniform(ks[8], (H, H), minval=-sh, maxval=sh, dtype=jnp.float32)
    Wr1 = jax.random.uniform(ks[9], (H, H), minval=-sh, maxval=sh, dtype=jnp.float32)
    b1 = jax.random.uniform(ks[10], (H,), minval=-sh, maxval=sh, dtype=jnp.float32)
    a1 = jnp.full((H,), 0.25, dtype=jnp.float32)
    return {"x": x, "src0": src0, "dst0": dst0, "src1": src1, "dst1": dst1,
            "Wl0": Wl0, "Wr0": Wr0, "b0": b0, "a0": a0,
            "Wl1": Wl1, "Wr1": Wr1, "b1": b1, "a1": a1}


def _sage_conv(x_src, x_tgt, src, dst, n_tgt, Wl, Wr, b):
    # SAGEConv with mean aggregation: out = lin_l(mean_{j->i} x_j) + lin_r(x_i)
    msgs = jnp.take(x_src, src, axis=0)
    agg = jax.ops.segment_sum(msgs, dst, num_segments=n_tgt)
    cnt = jax.ops.segment_sum(jnp.ones((src.shape[0], 1), x_src.dtype), dst, num_segments=n_tgt)
    mean = agg / jnp.maximum(cnt, 1.0)
    return mean @ Wl + b + x_tgt @ Wr


def _prelu(x, a):
    return jnp.where(x > 0, x, a * x)


def reference(x, src0, dst0, src1, dst1, Wl0, Wr0, b0, a0, Wl1, Wr1, b1, a1):
    # layer 0: bipartite (N src -> N1 tgt)
    x_tgt = x[:N1]
    h = _sage_conv(x, x_tgt, src0, dst0, N1, Wl0, Wr0, b0)
    h = _prelu(h, a0)
    # layer 1: bipartite (N1 src -> N2 tgt)
    h_tgt = h[:N2]
    out = _sage_conv(h, h_tgt, src1, dst1, N2, Wl1, Wr1, b1)
    out = _prelu(out, a1)
    return out

if __name__ == "__main__":
    import jax
    _d = setup_inputs()
    print(jax.jit(kernel)(*tuple(_d.values())))

</pallas_src>

<mosaic_0001>
#map = affine_map<(d0, d1) -> (0, 0)>
#map1 = affine_map<(d0, d1) -> (0)>
#map2 = affine_map<(d0, d1) -> (0, 0, 0)>
module attributes {stable_mosaic.version = 14 : i64} {
  func.func @body_no_flat(%arg0: i32, %arg1: i32, %arg2: memref<512x128xi32, #tpu.memory_space<hbm>>, %arg3: memref<512x128xi32, #tpu.memory_space<hbm>>, %arg4: memref<2048x128xf32, #tpu.memory_space<hbm>>, %arg5: memref<1024x128xf32, #tpu.memory_space<hbm>>, %arg6: memref<16384xf32, #tpu.memory_space<hbm>>, %arg7: memref<2x1024x128xf32, #tpu.memory_space<hbm>>, %arg8: memref<32x16384xf32, #tpu.memory_space<hbm>>, %arg9: memref<16x128xi32, #tpu.memory_space<vmem>>, %arg10: memref<16x128xi32, #tpu.memory_space<vmem>>, %arg11: memref<2x128x128xf32, #tpu.memory_space<vmem>>, %arg12: memref<16384xf32, #tpu.memory_space<vmem>>, %arg13: memref<1024x128xf32, #tpu.memory_space<vmem_shared>>, %arg14: memref<!tpu.dma_semaphore, #tpu.memory_space<semaphore_mem>>, %arg15: memref<!tpu.dma_semaphore, #tpu.memory_space<semaphore_mem>>, %arg16: memref<!tpu.dma_semaphore, #tpu.memory_space<semaphore_mem>>, %arg17: memref<!tpu.dma_semaphore, #tpu.memory_space<semaphore_mem>>) attributes {dimension_semantics = [#tpu.dimension_semantics<core_parallel>, #tpu.dimension_semantics<subcore_parallel>], iteration_bounds = array<i64: 2, 16>, scalar_prefetch = 0 : i64, scratch_operands = 9 : i64, tpu.core_type = #tpu.core_type<sc_vector_subcore>, window_params = [{transform_indices = #map}, {transform_indices = #map}, {transform_indices = #map}, {transform_indices = #map}, {transform_indices = #map1}, {transform_indices = #map2}, {transform_indices = #map}]} {
    %mul3A = arith.constant 2 : i32
    %mul3A_0 = arith.muli %arg1, %mul3A : i32
    %add3A = arith.addi %mul3A_0, %arg0 : i32
    %mul3A_1 = arith.constant 16 : i32
    %mul3A_2 = arith.muli %add3A, %mul3A_1 : i32
    %dma_start3A = arith.constant 0 : i32
    %dma_start3A_3 = tpu.memref_slice %arg2[%mul3A_2, %dma_start3A] : memref<512x128xi32, #tpu.memory_space<hbm>> -> memref<16x128xi32, #tpu.memory_space<hbm>>
    %dma_start3A_4 = arith.constant 0 : i32
    %dma_start3A_5 = tpu.memref_slice %arg2[%mul3A_2, %dma_start3A_4] : memref<512x128xi32, #tpu.memory_space<hbm>> -> memref<16x128xi32, #tpu.memory_space<hbm>>
    tpu.enqueue_dma source(%dma_start3A_5 : memref<16x128xi32, #tpu.memory_space<hbm>>) target(%arg9 : memref<16x128xi32, #tpu.memory_space<vmem>>) target_semaphore(%arg14 : memref<!tpu.dma_semaphore, #tpu.memory_space<semaphore_mem>>)
    %dma_start3A_6 = arith.constant 0 : i32
    %dma_start3A_7 = tpu.memref_slice %arg3[%mul3A_2, %dma_start3A_6] : memref<512x128xi32, #tpu.memory_space<hbm>> -> memref<16x128xi32, #tpu.memory_space<hbm>>
    %dma_start3A_8 = arith.constant 0 : i32
    %dma_start3A_9 = tpu.memref_slice %arg3[%mul3A_2, %dma_start3A_8] : memref<512x128xi32, #tpu.memory_space<hbm>> -> memref<16x128xi32, #tpu.memory_space<hbm>>
    tpu.enqueue_dma source(%dma_start3A_9 : memref<16x128xi32, #tpu.memory_space<hbm>>) target(%arg10 : memref<16x128xi32, #tpu.memory_space<vmem>>) target_semaphore(%arg15 : memref<!tpu.dma_semaphore, #tpu.memory_space<semaphore_mem>>)
    tpu.enqueue_dma source(%arg6 : memref<16384xf32, #tpu.memory_space<hbm>>) target(%arg12 : memref<16384xf32, #tpu.memory_space<vmem>>) target_semaphore(%arg17 : memref<!tpu.dma_semaphore, #tpu.memory_space<semaphore_mem>>)
    %mul3A_10 = arith.constant 64 : i32
    %mul3A_11 = arith.muli %arg1, %mul3A_10 : i32
    "tpu.region"() ({
      %run_scoped3A = tpu.sem_alloc : memref<!tpu.dma_semaphore, #tpu.memory_space<semaphore_mem>>
      %dma_start3A_61 = arith.constant 0 : i32
      %dma_start3A_62 = tpu.memref_slice %arg13[%mul3A_11, %dma_start3A_61] : memref<1024x128xf32, #tpu.memory_space<vmem_shared>> -> memref<64x128xf32, #tpu.memory_space<vmem_shared>>
      %dma_start3A_63 = arith.constant 0 : i32
      %dma_start3A_64 = tpu.memref_slice %arg5[%mul3A_11, %dma_start3A_63] : memref<1024x128xf32, #tpu.memory_space<hbm>> -> memref<64x128xf32, #tpu.memory_space<hbm>>
      tpu.enqueue_dma source(%dma_start3A_64 : memref<64x128xf32, #tpu.memory_space<hbm>>) target(%dma_start3A_62 : memref<64x128xf32, #tpu.memory_space<vmem_shared>>) target_semaphore(%run_scoped3A : memref<!tpu.dma_semaphore, #tpu.memory_space<semaphore_mem>>)
      %dma_wait3A_65 = arith.constant 0 : i32
      %dma_wait3A_66 = tpu.memref_slice %arg13[%mul3A_11, %dma_wait3A_65] : memref<1024x128xf32, #tpu.memory_space<vmem_shared>> -> memref<64x128xf32, #tpu.memory_space<vmem_shared>>
      %dma_wait3A_67 = arith.constant 0 : i32
      %dma_wait3A_68 = tpu.memref_slice %arg5[%mul3A_11, %dma_wait3A_67] : memref<1024x128xf32, #tpu.memory_space<hbm>> -> memref<64x128xf32, #tpu.memory_space<hbm>>
      tpu.wait_dma2 semaphore(%run_scoped3A : memref<!tpu.dma_semaphore, #tpu.memory_space<semaphore_mem>>) src(%dma_wait3A_68 : memref<64x128xf32, #tpu.memory_space<hbm>>) dst(%dma_wait3A_66 : memref<64x128xf32, #tpu.memory_space<vmem_shared>>)
      tpu.yield
    }) : () -> ()
    %dma_wait3A = arith.constant 0 : i32
    %dma_wait3A_12 = tpu.memref_slice %arg2[%mul3A_2, %dma_wait3A] : memref<512x128xi32, #tpu.memory_space<hbm>> -> memref<16x128xi32, #tpu.memory_space<hbm>>
    %dma_wait3A_13 = arith.constant 0 : i32
    %dma_wait3A_14 = tpu.memref_slice %arg2[%mul3A_2, %dma_wait3A_13] : memref<512x128xi32, #tpu.memory_space<hbm>> -> memref<16x128xi32, #tpu.memory_space<hbm>>
    tpu.wait_dma2 semaphore(%arg14 : memref<!tpu.dma_semaphore, #tpu.memory_space<semaphore_mem>>) src(%dma_wait3A_14 : memref<16x128xi32, #tpu.memory_space<hbm>>) dst(%arg9 : memref<16x128xi32, #tpu.memory_space<vmem>>)
    %dma_wait3A_15 = arith.constant 0 : i32
    %dma_wait3A_16 = tpu.memref_slice %arg3[%mul3A_2, %dma_wait3A_15] : memref<512x128xi32, #tpu.memory_space<hbm>> -> memref<16x128xi32, #tpu.memory_space<hbm>>
    %dma_wait3A_17 = arith.constant 0 : i32
    %dma_wait3A_18 = tpu.memref_slice %arg3[%mul3A_2, %dma_wait3A_17] : memref<512x128xi32, #tpu.memory_space<hbm>> -> memref<16x128xi32, #tpu.memory_space<hbm>>
    tpu.wait_dma2 semaphore(%arg15 : memref<!tpu.dma_semaphore, #tpu.memory_space<semaphore_mem>>) src(%dma_wait3A_18 : memref<16x128xi32, #tpu.memory_space<hbm>>) dst(%arg10 : memref<16x128xi32, #tpu.memory_space<vmem>>)
    %dma_start3A_19 = arith.constant 0 : i32
    %dma_start3A_20 = arith.constant 0 : i32
    %dma_start3A_21 = arith.constant 0 : i32
    %dma_start3A_22 = arith.constant 0 : i32
    %dma_start3A_23 = tpu.memref_slice %arg11[%dma_start3A_20, %dma_start3A_21, %dma_start3A_22] : memref<2x128x128xf32, #tpu.memory_space<vmem>> -> memref<1x128x128xf32, #tpu.memory_space<vmem>>
    %dma_start3A_24 = tpu.memref_squeeze %dma_start3A_23 : memref<1x128x128xf32, #tpu.memory_space<vmem>> -> memref<128x128xf32, #tpu.memory_space<vmem>>
    %dma_start3A_25 = arith.constant 0 : i32
    %dma_start3A_26 = tpu.memref_slice %arg9[%dma_start3A_19, %dma_start3A_25] : memref<16x128xi32, #tpu.memory_space<vmem>> -> memref<1x128xi32, #tpu.memory_space<vmem>>
    %dma_start3A_27 = tpu.memref_squeeze %dma_start3A_26 : memref<1x128xi32, #tpu.memory_space<vmem>> -> memref<128xi32, #tpu.memory_space<vmem>>
    %dma_start3A_28 = arith.constant 0 : i32
    %dma_start3A_29 = arith.constant 0 : i32
    %dma_start3A_30 = tpu.memref_slice %arg4[%dma_start3A_28, %dma_start3A_29] : memref<2048x128xf32, #tpu.memory_space<hbm>> -> memref<2048x128xf32, #tpu.memory_space<hbm>>
    tpu.enqueue_indirect_dma source(%dma_start3A_30 : memref<2048x128xf32, #tpu.memory_space<hbm>>) target(%dma_start3A_24 : memref<128x128xf32, #tpu.memory_space<vmem>>) offsets(%dma_start3A_27 : memref<128xi32, #tpu.memory_space<vmem>>) semaphore(%arg14 : memref<!tpu.dma_semaphore, #tpu.memory_space<semaphore_mem>>)
    %dma_start3A_31 = arith.constant 1 : i32
    %dma_start3A_32 = arith.constant 1 : i32
    %dma_start3A_33 = arith.constant 0 : i32
    %dma_start3A_34 = arith.constant 0 : i32
    %dma_start3A_35 = tpu.memref_slice %arg11[%dma_start3A_32, %dma_start3A_33, %dma_start3A_34] : memref<2x128x128xf32, #tpu.memory_space<vmem>> -> memref<1x128x128xf32, #tpu.memory_space<vmem>>
    %dma_start3A_36 = tpu.memref_squeeze %dma_start3A_35 : memref<1x128x128xf32, #tpu.memory_space<vmem>> -> memref<128x128xf32, #tpu.memory_space<vmem>>
    %dma_start3A_37 = arith.constant 0 : i32
    %dma_start3A_38 = tpu.memref_slice %arg9[%dma_start3A_31, %dma_start3A_37] : memref<16x128xi32, #tpu.memory_space<vmem>> -> memref<1x128xi32, #tpu.memory_space<vmem>>
    %dma_start3A_39 = tpu.memref_squeeze %dma_start3A_38 : memref<1x128xi32, #tpu.memory_space<vmem>> -> memref<128xi32, #tpu.memory_space<vmem>>
    %dma_start3A_40 = arith.constant 0 : i32
    %dma_start3A_41 = arith.constant 0 : i32
    %dma_start3A_42 = tpu.memref_slice %arg4[%dma_start3A_40, %dma_start3A_41] : memref<2048x128xf32, #tpu.memory_space<hbm>> -> memref<2048x128xf32, #tpu.memory_space<hbm>>
    tpu.enqueue_indirect_dma source(%dma_start3A_42 : memref<2048x128xf32, #tpu.memory_space<hbm>>) target(%dma_start3A_36 : memref<128x128xf32, #tpu.memory_space<vmem>>) offsets(%dma_start3A_39 : memref<128xi32, #tpu.memory_space<vmem>>) semaphore(%arg15 : memref<!tpu.dma_semaphore, #tpu.memory_space<semaphore_mem>>)
    tpu.wait_dma2 semaphore(%arg17 : memref<!tpu.dma_semaphore, #tpu.memory_space<semaphore_mem>>) src(%arg6 : memref<16384xf32, #tpu.memory_space<hbm>>) dst(%arg12 : memref<16384xf32, #tpu.memory_space<vmem>>)
    %barrier3A = arith.constant 0 : index
    tpu.barrier barrier_id(%barrier3A)
    %iota3A = tpu.iota {dimensions = array<i32: 0>} : vector<16xi32>
    %broadcast_in_dim3A = arith.constant 1.000000e+00 : f32
    %broadcast_in_dim3A_43 = vector.broadcast %broadcast_in_dim3A : f32 to vector<16xf32>
    %scan3A = arith.constant 0 : i32
    %scan3A_44 = arith.constant 8 : i32
    %scan3A_45 = arith.addi %scan3A, %scan3A_44 : i32
    %scan3A_46 = arith.constant 1 : i32
    scf.for %scan3A_61 = %scan3A to %scan3A_45 step %scan3A_46  : i32 {
      %mul3A_62 = arith.constant 2 : i32
      %mul3A_63 = arith.muli %scan3A_61, %mul3A_62 : i32
      %add3A_64 = arith.constant 0 : i32
      %add3A_65 = arith.addi %add3A_64, %mul3A_63 : i32
      %add3A_66 = arith.constant 0 : i32
      %add3A_67 = arith.addi %add3A_65, %add3A_66 : i32
      %dma_wait3A_68 = arith.constant 0 : i32
      %dma_wait3A_69 = arith.constant 0 : i32
      %dma_wait3A_70 = arith.constant 0 : i32
      %dma_wait3A_71 = tpu.memref_slice %arg11[%dma_wait3A_68, %dma_wait3A_69, %dma_wait3A_70] : memref<2x128x128xf32, #tpu.memory_space<vmem>> -> memref<1x128x128xf32, #tpu.memory_space<vmem>>
      %dma_wait3A_72 = tpu.memref_squeeze %dma_wait3A_71 : memref<1x128x128xf32, #tpu.memory_space<vmem>> -> memref<128x128xf32, #tpu.memory_space<vmem>>
      %dma_wait3A_73 = arith.constant 0 : i32
      %dma_wait3A_74 = tpu.memref_slice %arg9[%add3A_67, %dma_wait3A_73] : memref<16x128xi32, #tpu.memory_space<vmem>> -> memref<1x128xi32, #tpu.memory_space<vmem>>
      %dma_wait3A_75 = tpu.memref_squeeze %dma_wait3A_74 : memref<1x128xi32, #tpu.memory_space<vmem>> -> memref<128xi32, #tpu.memory_space<vmem>>
      %dma_wait3A_76 = arith.constant 0 : i32
      %dma_wait3A_77 = arith.constant 0 : i32
      %dma_wait3A_78 = tpu.memref_slice %arg4[%dma_wait3A_76, %dma_wait3A_77] : memref<2048x128xf32, #tpu.memory_space<hbm>> -> memref<2048x128xf32, #tpu.memory_space<hbm>>
      tpu.wait_indirect_dma semaphore(%arg14 : memref<!tpu.dma_semaphore, #tpu.memory_space<semaphore_mem>>) src(%dma_wait3A_78 : memref<2048x128xf32, #tpu.memory_space<hbm>>) dst(%dma_wait3A_72 : memref<128x128xf32, #tpu.memory_space<vmem>>)
      %dma_start3A_79 = arith.constant 0 : i32
      %dma_start3A_80 = arith.constant 0 : i32
      %dma_start3A_81 = arith.constant 0 : i32
      %dma_start3A_82 = tpu.memref_slice %arg11[%dma_start3A_79, %dma_start3A_80, %dma_start3A_81] : memref<2x128x128xf32, #tpu.memory_space<vmem>> -> memref<1x128x128xf32, #tpu.memory_space<vmem>>
      %dma_start3A_83 = tpu.memref_squeeze %dma_start3A_82 : memref<1x128x128xf32, #tpu.memory_space<vmem>> -> memref<128x128xf32, #tpu.memory_space<vmem>>
      %dma_start3A_84 = arith.constant 0 : i32
      %dma_start3A_85 = tpu.memref_slice %arg10[%add3A_67, %dma_start3A_84] : memref<16x128xi32, #tpu.memory_space<vmem>> -> memref<1x128xi32, #tpu.memory_space<vmem>>
      %dma_start3A_86 = tpu.memref_squeeze %dma_start3A_85 : memref<1x128xi32, #tpu.memory_space<vmem>> -> memref<128xi32, #tpu.memory_space<vmem>>
      %dma_start3A_87 = arith.constant 0 : i32
      %dma_start3A_88 = arith.constant 0 : i32
      %dma_start3A_89 = tpu.memref_slice %arg13[%dma_start3A_87, %dma_start3A_88] : memref<1024x128xf32, #tpu.memory_space<vmem_shared>> -> memref<1024x128xf32, #tpu.memory_space<vmem_shared>>
      tpu.enqueue_indirect_dma source(%dma_start3A_83 : memref<128x128xf32, #tpu.memory_space<vmem>>) target(%dma_start3A_89 : memref<1024x128xf32, #tpu.memory_space<vmem_shared>>) offsets(%dma_start3A_86 : memref<128xi32, #tpu.memory_space<vmem>>) semaphore(%arg16 : memref<!tpu.dma_semaphore, #tpu.memory_space<semaphore_mem>>) {add = true}
      %get3A = arith.index_cast %add3A_67 : i32 to index
      %get3A_90 = arith.constant 0 : index
      %get3A_91 = tpu.vector_load %arg10[%get3A, %get3A_90] {strides = array<i32>} : memref<16x128xi32, #tpu.memory_space<vmem>>, vector<16xi32>,
      %mul3A_92 = arith.constant 16 : i32
      %mul3A_93 = vector.broadcast %mul3A_92 : i32 to vector<16xi32>
      %mul3A_94 = arith.muli %get3A_91, %mul3A_93 : vector<16xi32>
      %add3A_95 = arith.addi %mul3A_94, %iota3A : vector<16xi32>
      tpu.vector_store_idx %arg12[%add3A_95], %broadcast_in_dim3A_43 {add = true} : memref<16384xf32, #tpu.memory_space<vmem>>[vector<16xi32>], vector<16xf32>,
      %get3A_96 = arith.index_cast %add3A_67 : i32 to index
      %get3A_97 = arith.constant 16 : index
      %get3A_98 = tpu.vector_load %arg10[%get3A_96, %get3A_97] {strides = array<i32>} : memref<16x128xi32, #tpu.memory_space<vmem>>, vector<16xi32>,
      %mul3A_99 = arith.constant 16 : i32
      %mul3A_100 = vector.broadcast %mul3A_99 : i32 to vector<16xi32>
      %mul3A_101 = arith.muli %get3A_98, %mul3A_100 : vector<16xi32>
      %add3A_102 = arith.addi %mul3A_101, %iota3A : vector<16xi32>
      tpu.vector_store_idx %arg12[%add3A_102], %broadcast_in_dim3A_43 {add = true} : memref<16384xf32, #tpu.memory_space<vmem>>[vector<16xi32>], vector<16xf32>,
      %get3A_103 = arith.index_cast %add3A_67 : i32 to index
      %get3A_104 = arith.constant 32 : index
      %get3A_105 = tpu.vector_load %arg10[%get3A_103, %get3A_104] {strides = array<i32>} : memref<16x128xi32, #tpu.memory_space<vmem>>, vector<16xi32>,
      %mul3A_106 = arith.constant 16 : i32
      %mul3A_107 = vector.broadcast %mul3A_106 : i32 to vector<16xi32>
      %mul3A_108 = arith.muli %get3A_105, %mul3A_107 : vector<16xi32>
      %add3A_109 = arith.addi %mul3A_108, %iota3A : vector<16xi32>
      tpu.vector_store_idx %arg12[%add3A_109], %broadcast_in_dim3A_43 {add = true} : memref<16384xf32, #tpu.memory_space<vmem>>[vector<16xi32>], vector<16xf32>,
      %get3A_110 = arith.index_cast %add3A_67 : i32 to index
      %get3A_111 = arith.constant 48 : index
      %get3A_112 = tpu.vector_load %arg10[%get3A_110, %get3A_111] {strides = array<i32>} : memref<16x128xi32, #tpu.memory_space<vmem>>, vector<16xi32>,
      %mul3A_113 = arith.constant 16 : i32
      %mul3A_114 = vector.broadcast %mul3A_113 : i32 to vector<16xi32>
      %mul3A_115 = arith.muli %get3A_112, %mul3A_114 : vector<16xi32>
      %add3A_116 = arith.addi %mul3A_115, %iota3A : vector<16xi32>
      tpu.vector_store_idx %arg12[%add3A_116], %broadcast_in_dim3A_43 {add = true} : memref<16384xf32, #tpu.memory_space<vmem>>[vector<16xi32>], vector<16xf32>,
      %get3A_117 = arith.index_cast %add3A_67 : i32 to index
      %get3A_118 = arith.constant 64 : index
      %get3A_119 = tpu.vector_load %arg10[%get3A_117, %get3A_118] {strides = array<i32>} : memref<16x128xi32, #tpu.memory_space<vmem>>, vector<16xi32>,
      %mul3A_120 = arith.constant 16 : i32
      %mul3A_121 = vector.broadcast %mul3A_120 : i32 to vector<16xi32>
      %mul3A_122 = arith.muli %get3A_119, %mul3A_121 : vector<16xi32>
      %add3A_123 = arith.addi %mul3A_122, %iota3A : vector<16xi32>
      tpu.vector_store_idx %arg12[%add3A_123], %broadcast_in_dim3A_43 {add = true} : memref<16384xf32, #tpu.memory_space<vmem>>[vector<16xi32>], vector<16xf32>,
      %get3A_124 = arith.index_cast %add3A_67 : i32 to index
      %get3A_125 = arith.constant 80 : index
      %get3A_126 = tpu.vector_load %arg10[%get3A_124, %get3A_125] {strides = array<i32>} : memref<16x128xi32, #tpu.memory_space<vmem>>, vector<16xi32>,
      %mul3A_127 = arith.constant 16 : i32
      %mul3A_128 = vector.broadcast %mul3A_127 : i32 to vector<16xi32>
      %mul3A_129 = arith.muli %get3A_126, %mul3A_128 : vector<16xi32>
      %add3A_130 = arith.addi %mul3A_129, %iota3A : vector<16xi32>
      tpu.vector_store_idx %arg12[%add3A_130], %broadcast_in_dim3A_43 {add = true} : memref<16384xf32, #tpu.memory_space<vmem>>[vector<16xi32>], vector<16xf32>,
      %get3A_131 = arith.index_cast %add3A_67 : i32 to index
      %get3A_132 = arith.constant 96 : index
      %get3A_133 = tpu.vector_load %arg10[%get3A_131, %get3A_132] {strides = array<i32>} : memref<16x128xi32, #tpu.memory_space<vmem>>, vector<16xi32>,
      %mul3A_134 = arith.constant 16 : i32
      %mul3A_135 = vector.broadcast %mul3A_134 : i32 to vector<16xi32>
      %mul3A_136 = arith.muli %get3A_133, %mul3A_135 : vector<16xi32>
      %add3A_137 = arith.addi %mul3A_136, %iota3A : vector<16xi32>
      tpu.vector_store_idx %arg12[%add3A_137], %broadcast_in_dim3A_43 {add = true} : memref<16384xf32, #tpu.memory_space<vmem>>[vector<16xi32>], vector<16xf32>,
      %get3A_138 = arith.index_cast %add3A_67 : i32 to index
      %get3A_139 = arith.constant 112 : index
      %get3A_140 = tpu.vector_load %arg10[%get3A_138, %get3A_139] {strides = array<i32>} : memref<16x128xi32, #tpu.memory_space<vmem>>, vector<16xi32>,
      %mul3A_141 = arith.constant 16 : i32
      %mul3A_142 = vector.broadcast %mul3A_141 : i32 to vector<16xi32>
      %mul3A_143 = arith.muli %get3A_140, %mul3A_142 : vector<16xi32>
      %add3A_144 = arith.addi %mul3A_143, %iota3A : vector<16xi32>
      tpu.vector_store_idx %arg12[%add3A_144], %broadcast_in_dim3A_43 {add = true} : memref<16384xf32, #tpu.memory_space<vmem>>[vector<16xi32>], vector<16xf32>,
      %dma_wait3A_145 = arith.constant 0 : i32
      %dma_wait3A_146 = arith.constant 0 : i32
      %dma_wait3A_147 = arith.constant 0 : i32
      %dma_wait3A_148 = tpu.memref_slice %arg11[%dma_wait3A_145, %dma_wait3A_146, %dma_wait3A_147] : memref<2x128x128xf32, #tpu.memory_space<vmem>> -> memref<1x128x128xf32, #tpu.memory_space<vmem>>
      %dma_wait3A_149 = tpu.memref_squeeze %dma_wait3A_148 : memref<1x128x128xf32, #tpu.memory_space<vmem>> -> memref<128x128xf32, #tpu.memory_space<vmem>>
      %dma_wait3A_150 = arith.constant 0 : i32
      %dma_wait3A_151 = tpu.memref_slice %arg10[%add3A_67, %dma_wait3A_150] : memref<16x128xi32, #tpu.memory_space<vmem>> -> memref<1x128xi32, #tpu.memory_space<vmem>>
      %dma_wait3A_152 = tpu.memref_squeeze %dma_wait3A_151 : memref<1x128xi32, #tpu.memory_space<vmem>> -> memref<128xi32, #tpu.memory_space<vmem>>
      %dma_wait3A_153 = arith.constant 0 : i32
      %dma_wait3A_154 = arith.constant 0 : i32
      %dma_wait3A_155 = tpu.memref_slice %arg13[%dma_wait3A_153, %dma_wait3A_154] : memref<1024x128xf32, #tpu.memory_space<vmem_shared>> -> memref<1024x128xf32, #tpu.memory_space<vmem_shared>>
      tpu.wait_indirect_dma semaphore(%arg16 : memref<!tpu.dma_semaphore, #tpu.memory_space<semaphore_mem>>) src(%dma_wait3A_149 : memref<128x128xf32, #tpu.memory_space<vmem>>) dst(%dma_wait3A_155 : memref<1024x128xf32, #tpu.memory_space<vmem_shared>>)
      %add3A_156 = arith.constant 2 : i32
      %add3A_157 = arith.addi %add3A_67, %add3A_156 : i32
      %lt3A = arith.constant 16 : i32
      %lt3A_158 = arith.cmpi slt, %add3A_157, %lt3A : i32
      %convert_element_type3A = arith.extui %lt3A_158 : i1 to i32
      %cond3A = arith.constant 0 : i32
      %cond3A_159 = arith.cmpi ne, %convert_element_type3A, %cond3A : i32
      scf.if %cond3A_159 {
        %add3A_258 = arith.constant 2 : i32
        %add3A_259 = arith.addi %add3A_67, %add3A_258 : i32
        %dma_start3A_260 = arith.constant 0 : i32
        %dma_start3A_261 = arith.constant 0 : i32
        %dma_start3A_262 = arith.constant 0 : i32
        %dma_start3A_263 = tpu.memref_slice %arg11[%dma_start3A_260, %dma_start3A_261, %dma_start3A_262] : memref<2x128x128xf32, #tpu.memory_space<vmem>> -> memref<1x128x128xf32, #tpu.memory_space<vmem>>
        %dma_start3A_264 = tpu.memref_squeeze %dma_start3A_263 : memref<1x128x128xf32, #tpu.memory_space<vmem>> -> memref<128x128xf32, #tpu.memory_space<vmem>>
        %dma_start3A_265 = arith.constant 0 : i32
        %dma_start3A_266 = tpu.memref_slice %arg9[%add3A_259, %dma_start3A_265] : memref<16x128xi32, #tpu.memory_space<vmem>> -> memref<1x128xi32, #tpu.memory_space<vmem>>
        %dma_start3A_267 = tpu.memref_squeeze %dma_start3A_266 : memref<1x128xi32, #tpu.memory_space<vmem>> -> memref<128xi32, #tpu.memory_space<vmem>>
        %dma_start3A_268 = arith.constant 0 : i32
        %dma_start3A_269 = arith.constant 0 : i32
        %dma_start3A_270 = tpu.memref_slice %arg4[%dma_start3A_268, %dma_start3A_269] : memref<2048x128xf32, #tpu.memory_space<hbm>> -> memref<2048x128xf32, #tpu.memory_space<hbm>>
        tpu.enqueue_indirect_dma source(%dma_start3A_270 : memref<2048x128xf32, #tpu.memory_space<hbm>>) target(%dma_start3A_264 : memref<128x128xf32, #tpu.memory_space<vmem>>) offsets(%dma_start3A_267 : memref<128xi32, #tpu.memory_space<vmem>>) semaphore(%arg14 : memref<!tpu.dma_semaphore, #tpu.memory_space<semaphore_mem>>)
      } else {
      }
      %add3A_160 = arith.constant 1 : i32
      %add3A_161 = arith.addi %add3A_65, %add3A_160 : i32
      %dma_wait3A_162 = arith.constant 1 : i32
      %dma_wait3A_163 = arith.constant 0 : i32
      %dma_wait3A_164 = arith.constant 0 : i32
      %dma_wait3A_165 = tpu.memref_slice %arg11[%dma_wait3A_162, %dma_wait3A_163, %dma_wait3A_164] : memref<2x128x128xf32, #tpu.memory_space<vmem>> -> memref<1x128x128xf32, #tpu.memory_space<vmem>>
      %dma_wait3A_166 = tpu.memref_squeeze %dma_wait3A_165 : memref<1x128x128xf32, #tpu.memory_space<vmem>> -> memref<128x128xf32, #tpu.memory_space<vmem>>
      %dma_wait3A_167 = arith.constant 0 : i32
      %dma_wait3A_168 = tpu.memref_slice %arg9[%add3A_161, %dma_wait3A_167] : memref<16x128xi32, #tpu.memory_space<vmem>> -> memref<1x128xi32, #tpu.memory_space<vmem>>
      %dma_wait3A_169 = tpu.memref_squeeze %dma_wait3A_168 : memref<1x128xi32, #tpu.memory_space<vmem>> -> memref<128xi32, #tpu.memory_space<vmem>>
      %dma_wait3A_170 = arith.constant 0 : i32
      %dma_wait3A_171 = arith.constant 0 : i32
      %dma_wait3A_172 = tpu.memref_slice %arg4[%dma_wait3A_170, %dma_wait3A_171] : memref<2048x128xf32, #tpu.memory_space<hbm>> -> memref<2048x128xf32, #tpu.memory_space<hbm>>
      tpu.wait_indirect_dma semaphore(%arg15 : memref<!tpu.dma_semaphore, #tpu.memory_space<semaphore_mem>>) src(%dma_wait3A_172 : memref<2048x128xf32, #tpu.memory_space<hbm>>) dst(%dma_wait3A_166 : memref<128x128xf32, #tpu.memory_space<vmem>>)
      %dma_start3A_173 = arith.constant 1 : i32
      %dma_start3A_174 = arith.constant 0 : i32
      %dma_start3A_175 = arith.constant 0 : i32
      %dma_start3A_176 = tpu.memref_slice %arg11[%dma_start3A_173, %dma_start3A_174, %dma_start3A_175] : memref<2x128x128xf32, #tpu.memory_space<vmem>> -> memref<1x128x128xf32, #tpu.memory_space<vmem>>
      %dma_start3A_177 = tpu.memref_squeeze %dma_start3A_176 : memref<1x128x128xf32, #tpu.memory_space<vmem>> -> memref<128x128xf32, #tpu.memory_space<vmem>>
      %dma_start3A_178 = arith.constant 0 : i32
      %dma_start3A_179 = tpu.memref_slice %arg10[%add3A_161, %dma_start3A_178] : memref<16x128xi32, #tpu.memory_space<vmem>> -> memref<1x128xi32, #tpu.memory_space<vmem>>
      %dma_start3A_180 = tpu.memref_squeeze %dma_start3A_179 : memref<1x128xi32, #tpu.memory_space<vmem>> -> memref<128xi32, #tpu.memory_space<vmem>>
      %dma_start3A_181 = arith.constant 0 : i32
      %dma_start3A_182 = arith.constant 0 : i32
      %dma_start3A_183 = tpu.memref_slice %arg13[%dma_start3A_181, %dma_start3A_182] : memref<1024x128xf32, #tpu.memory_space<vmem_shared>> -> memref<1024x128xf32, #tpu.memory_space<vmem_shared>>
      tpu.enqueue_indirect_dma source(%dma_start3A_177 : memref<128x128xf32, #tpu.memory_space<vmem>>) target(%dma_start3A_183 : memref<1024x128xf32, #tpu.memory_space<vmem_shared>>) offsets(%dma_start3A_180 : memref<128xi32, #tpu.memory_space<vmem>>) semaphore(%arg17 : memref<!tpu.dma_semaphore, #tpu.memory_space<semaphore_mem>>) {add = true}
      %get3A_184 = arith.index_cast %add3A_161 : i32 to index
      %get3A_185 = arith.constant 0 : index
      %get3A_186 = tpu.vector_load %arg10[%get3A_184, %get3A_185] {strides = array<i32>} : memref<16x128xi32, #tpu.memory_space<vmem>>, vector<16xi32>,
      %mul3A_187 = arith.constant 16 : i32
      %mul3A_188 = vector.broadcast %mul3A_187 : i32 to vector<16xi32>
      %mul3A_189 = arith.muli %get3A_186, %mul3A_188 : vector<16xi32>
      %add3A_190 = arith.addi %mul3A_189, %iota3A : vector<16xi32>
      tpu.vector_store_idx %arg12[%add3A_190], %broadcast_in_dim3A_43 {add = true} : memref<16384xf32, #tpu.memory_space<vmem>>[vector<16xi32>], vector<16xf32>,
      %get3A_191 = arith.index_cast %add3A_161 : i32 to index
      %get3A_192 = arith.constant 16 : index
      %get3A_193 = tpu.vector_load %arg10[%get3A_191, %get3A_192] {strides = array<i32>} : memref<16x128xi32, #tpu.memory_space<vmem>>, vector<16xi32>,
      %mul3A_194 = arith.constant 16 : i32
      %mul3A_195 = vector.broadcast %mul3A_194 : i32 to vector<16xi32>
      %mul3A_196 = arith.muli %get3A_193, %mul3A_195 : vector<16xi32>
      %add3A_197 = arith.addi %mul3A_196, %iota3A : vector<16xi32>
      tpu.vector_store_idx %arg12[%add3A_197], %broadcast_in_dim3A_43 {add = true} : memref<16384xf32, #tpu.memory_space<vmem>>[vector<16xi32>], vector<16xf32>,
      %get3A_198 = arith.index_cast %add3A_161 : i32 to index
      %get3A_199 = arith.constant 32 : index
      %get3A_200 = tpu.vector_load %arg10[%get3A_198, %get3A_199] {strides = array<i32>} : memref<16x128xi32, #tpu.memory_space<vmem>>, vector<16xi32>,
      %mul3A_201 = arith.constant 16 : i32
      %mul3A_202 = vector.broadcast %mul3A_201 : i32 to vector<16xi32>
      %mul3A_203 = arith.muli %get3A_200, %mul3A_202 : vector<16xi32>
      %add3A_204 = arith.addi %mul3A_203, %iota3A : vector<16xi32>
      tpu.vector_store_idx %arg12[%add3A_204], %broadcast_in_dim3A_43 {add = true} : memref<16384xf32, #tpu.memory_space<vmem>>[vector<16xi32>], vector<16xf32>,
      %get3A_205 = arith.index_cast %add3A_161 : i32 to index
      %get3A_206 = arith.constant 48 : index
      %get3A_207 = tpu.vector_load %arg10[%get3A_205, %get3A_206] {strides = array<i32>} : memref<16x128xi32, #tpu.memory_space<vmem>>, vector<16xi32>,
      %mul3A_208 = arith.constant 16 : i32
      %mul3A_209 = vector.broadcast %mul3A_208 : i32 to vector<16xi32>
      %mul3A_210 = arith.muli %get3A_207, %mul3A_209 : vector<16xi32>
      %add3A_211 = arith.addi %mul3A_210, %iota3A : vector<16xi32>
      tpu.vector_store_idx %arg12[%add3A_211], %broadcast_in_dim3A_43 {add = true} : memref<16384xf32, #tpu.memory_space<vmem>>[vector<16xi32>], vector<16xf32>,
      %get3A_212 = arith.index_cast %add3A_161 : i32 to index
      %get3A_213 = arith.constant 64 : index
      %get3A_214 = tpu.vector_load %arg10[%get3A_212, %get3A_213] {strides = array<i32>} : memref<16x128xi32, #tpu.memory_space<vmem>>, vector<16xi32>,
      %mul3A_215 = arith.constant 16 : i32
      %mul3A_216 = vector.broadcast %mul3A_215 : i32 to vector<16xi32>
      %mul3A_217 = arith.muli %get3A_214, %mul3A_216 : vector<16xi32>
      %add3A_218 = arith.addi %mul3A_217, %iota3A : vector<16xi32>
      tpu.vector_store_idx %arg12[%add3A_218], %broadcast_in_dim3A_43 {add = true} : memref<16384xf32, #tpu.memory_space<vmem>>[vector<16xi32>], vector<16xf32>,
      %get3A_219 = arith.index_cast %add3A_161 : i32 to index
      %get3A_220 = arith.constant 80 : index
      %get3A_221 = tpu.vector_load %arg10[%get3A_219, %get3A_220] {strides = array<i32>} : memref<16x128xi32, #tpu.memory_space<vmem>>, vector<16xi32>,
      %mul3A_222 = arith.constant 16 : i32
      %mul3A_223 = vector.broadcast %mul3A_222 : i32 to vector<16xi32>
      %mul3A_224 = arith.muli %get3A_221, %mul3A_223 : vector<16xi32>
      %add3A_225 = arith.addi %mul3A_224, %iota3A : vector<16xi32>
      tpu.vector_store_idx %arg12[%add3A_225], %broadcast_in_dim3A_43 {add = true} : memref<16384xf32, #tpu.memory_space<vmem>>[vector<16xi32>], vector<16xf32>,
      %get3A_226 = arith.index_cast %add3A_161 : i32 to index
      %get3A_227 = arith.constant 96 : index
      %get3A_228 = tpu.vector_load %arg10[%get3A_226, %get3A_227] {strides = array<i32>} : memref<16x128xi32, #tpu.memory_space<vmem>>, vector<16xi32>,
      %mul3A_229 = arith.constant 16 : i32
      %mul3A_230 = vector.broadcast %mul3A_229 : i32 to vector<16xi32>
      %mul3A_231 = arith.muli %get3A_228, %mul3A_230 : vector<16xi32>
      %add3A_232 = arith.addi %mul3A_231, %iota3A : vector<16xi32>
      tpu.vector_store_idx %arg12[%add3A_232], %broadcast_in_dim3A_43 {add = true} : memref<16384xf32, #tpu.memory_space<vmem>>[vector<16xi32>], vector<16xf32>,
      %get3A_233 = arith.index_cast %add3A_161 : i32 to index
      %get3A_234 = arith.constant 112 : index
      %get3A_235 = tpu.vector_load %arg10[%get3A_233, %get3A_234] {strides = array<i32>} : memref<16x128xi32, #tpu.memory_space<vmem>>, vector<16xi32>,
      %mul3A_236 = arith.constant 16 : i32
      %mul3A_237 = vector.broadcast %mul3A_236 : i32 to vector<16xi32>
      %mul3A_238 = arith.muli %get3A_235, %mul3A_237 : vector<16xi32>
      %add3A_239 = arith.addi %mul3A_238, %iota3A : vector<16xi32>
      tpu.vector_store_idx %arg12[%add3A_239], %broadcast_in_dim3A_43 {add = true} : memref<16384xf32, #tpu.memory_space<vmem>>[vector<16xi32>], vector<16xf32>,
      %dma_wait3A_240 = arith.constant 1 : i32
      %dma_wait3A_241 = arith.constant 0 : i32
      %dma_wait3A_242 = arith.constant 0 : i32
      %dma_wait3A_243 = tpu.memref_slice %arg11[%dma_wait3A_240, %dma_wait3A_241, %dma_wait3A_242] : memref<2x128x128xf32, #tpu.memory_space<vmem>> -> memref<1x128x128xf32, #tpu.memory_space<vmem>>
      %dma_wait3A_244 = tpu.memref_squeeze %dma_wait3A_243 : memref<1x128x128xf32, #tpu.memory_space<vmem>> -> memref<128x128xf32, #tpu.memory_space<vmem>>
      %dma_wait3A_245 = arith.constant 0 : i32
      %dma_wait3A_246 = tpu.memref_slice %arg10[%add3A_161, %dma_wait3A_245] : memref<16x128xi32, #tpu.memory_space<vmem>> -> memref<1x128xi32, #tpu.memory_space<vmem>>
      %dma_wait3A_247 = tpu.memref_squeeze %dma_wait3A_246 : memref<1x128xi32, #tpu.memory_space<vmem>> -> memref<128xi32, #tpu.memory_space<vmem>>
      %dma_wait3A_248 = arith.constant 0 : i32
      %dma_wait3A_249 = arith.constant 0 : i32
      %dma_wait3A_250 = tpu.memref_slice %arg13[%dma_wait3A_248, %dma_wait3A_249] : memref<1024x128xf32, #tpu.memory_space<vmem_shared>> -> memref<1024x128xf32, #tpu.memory_space<vmem_shared>>
      tpu.wait_indirect_dma semaphore(%arg17 : memref<!tpu.dma_semaphore, #tpu.memory_space<semaphore_mem>>) src(%dma_wait3A_244 : memref<128x128xf32, #tpu.memory_space<vmem>>) dst(%dma_wait3A_250 : memref<1024x128xf32, #tpu.memory_space<vmem_shared>>)
      %add3A_251 = arith.constant 2 : i32
      %add3A_252 = arith.addi %add3A_161, %add3A_251 : i32
      %lt3A_253 = arith.constant 16 : i32
      %lt3A_254 = arith.cmpi slt, %add3A_252, %lt3A_253 : i32
      %convert_element_type3A_255 = arith.extui %lt3A_254 : i1 to i32
      %cond3A_256 = arith.constant 0 : i32
      %cond3A_257 = arith.cmpi ne, %convert_element_type3A_255, %cond3A_256 : i32
      scf.if %cond3A_257 {
        %add3A_258 = arith.constant 2 : i32
        %add3A_259 = arith.addi %add3A_161, %add3A_258 : i32
        %dma_start3A_260 = arith.constant 1 : i32
        %dma_start3A_261 = arith.constant 0 : i32
        %dma_start3A_262 = arith.constant 0 : i32
        %dma_start3A_263 = tpu.memref_slice %arg11[%dma_start3A_260, %dma_start3A_261, %dma_start3A_262] : memref<2x128x128xf32, #tpu.memory_space<vmem>> -> memref<1x128x128xf32, #tpu.memory_space<vmem>>
        %dma_start3A_264 = tpu.memref_squeeze %dma_start3A_263 : memref<1x128x128xf32, #tpu.memory_space<vmem>> -> memref<128x128xf32, #tpu.memory_space<vmem>>
        %dma_start3A_265 = arith.constant 0 : i32
        %dma_start3A_266 = tpu.memref_slice %arg9[%add3A_259, %dma_start3A_265] : memref<16x128xi32, #tpu.memory_space<vmem>> -> memref<1x128xi32, #tpu.memory_space<vmem>>
        %dma_start3A_267 = tpu.memref_squeeze %dma_start3A_266 : memref<1x128xi32, #tpu.memory_space<vmem>> -> memref<128xi32, #tpu.memory_space<vmem>>
        %dma_start3A_268 = arith.constant 0 : i32
        %dma_start3A_269 = arith.constant 0 : i32
        %dma_start3A_270 = tpu.memref_slice %arg4[%dma_start3A_268, %dma_start3A_269] : memref<2048x128xf32, #tpu.memory_space<hbm>> -> memref<2048x128xf32, #tpu.memory_space<hbm>>
        tpu.enqueue_indirect_dma source(%dma_start3A_270 : memref<2048x128xf32, #tpu.memory_space<hbm>>) target(%dma_start3A_264 : memref<128x128xf32, #tpu.memory_space<vmem>>) offsets(%dma_start3A_267 : memref<128xi32, #tpu.memory_space<vmem>>) semaphore(%arg15 : memref<!tpu.dma_semaphore, #tpu.memory_space<semaphore_mem>>)
      } else {
      }
    }
    %scan3A_47 = arith.constant 8 : i32
    %dma_start3A_48 = arith.constant 0 : i32
    %dma_start3A_49 = tpu.memref_slice %arg8[%add3A, %dma_start3A_48] : memref<32x16384xf32, #tpu.memory_space<hbm>> -> memref<1x16384xf32, #tpu.memory_space<hbm>>
    %dma_start3A_50 = tpu.memref_squeeze %dma_start3A_49 : memref<1x16384xf32, #tpu.memory_space<hbm>> -> memref<16384xf32, #tpu.memory_space<hbm>>
    %dma_start3A_51 = arith.constant 0 : i32
    %dma_start3A_52 = tpu.memref_slice %arg8[%add3A, %dma_start3A_51] : memref<32x16384xf32, #tpu.memory_space<hbm>> -> memref<1x16384xf32, #tpu.memory_space<hbm>>
    %dma_start3A_53 = tpu.memref_squeeze %dma_start3A_52 : memref<1x16384xf32, #tpu.memory_space<hbm>> -> memref<16384xf32, #tpu.memory_space<hbm>>
    tpu.enqueue_dma source(%arg12 : memref<16384xf32, #tpu.memory_space<vmem>>) target(%dma_start3A_53 : memref<16384xf32, #tpu.memory_space<hbm>>) target_semaphore(%arg17 : memref<!tpu.dma_semaphore, #tpu.memory_space<semaphore_mem>>)
    %barrier3A_54 = arith.constant 0 : index
    tpu.barrier barrier_id(%barrier3A_54)
    "tpu.region"() ({
      %run_scoped3A = tpu.sem_alloc : memref<!tpu.dma_semaphore, #tpu.memory_space<semaphore_mem>>
      %dma_start3A_61 = arith.constant 0 : i32
      %dma_start3A_62 = tpu.memref_slice %arg7[%arg0, %mul3A_11, %dma_start3A_61] : memref<2x1024x128xf32, #tpu.memory_space<hbm>> -> memref<1x64x128xf32, #tpu.memory_space<hbm>>
      %dma_start3A_63 = tpu.memref_squeeze %dma_start3A_62 : memref<1x64x128xf32, #tpu.memory_space<hbm>> -> memref<64x128xf32, #tpu.memory_space<hbm>>
      %dma_start3A_64 = arith.constant 0 : i32
      %dma_start3A_65 = tpu.memref_slice %arg13[%mul3A_11, %dma_start3A_64] : memref<1024x128xf32, #tpu.memory_space<vmem_shared>> -> memref<64x128xf32, #tpu.memory_space<vmem_shared>>
      tpu.enqueue_dma source(%dma_start3A_65 : memref<64x128xf32, #tpu.memory_space<vmem_shared>>) target(%dma_start3A_63 : memref<64x128xf32, #tpu.memory_space<hbm>>) target_semaphore(%run_scoped3A : memref<!tpu.dma_semaphore, #tpu.memory_space<semaphore_mem>>)
      %dma_wait3A_66 = arith.constant 0 : i32
      %dma_wait3A_67 = tpu.memref_slice %arg7[%arg0, %mul3A_11, %dma_wait3A_66] : memref<2x1024x128xf32, #tpu.memory_space<hbm>> -> memref<1x64x128xf32, #tpu.memory_space<hbm>>
      %dma_wait3A_68 = tpu.memref_squeeze %dma_wait3A_67 : memref<1x64x128xf32, #tpu.memory_space<hbm>> -> memref<64x128xf32, #tpu.memory_space<hbm>>
      %dma_wait3A_69 = arith.constant 0 : i32
      %dma_wait3A_70 = tpu.memref_slice %arg13[%mul3A_11, %dma_wait3A_69] : memref<1024x128xf32, #tpu.memory_space<vmem_shared>> -> memref<64x128xf32, #tpu.memory_space<vmem_shared>>
      tpu.wait_dma2 semaphore(%run_scoped3A : memref<!tpu.dma_semaphore, #tpu.memory_space<semaphore_mem>>) src(%dma_wait3A_70 : memref<64x128xf32, #tpu.memory_space<vmem_shared>>) dst(%dma_wait3A_68 : memref<64x128xf32, #tpu.memory_space<hbm>>)
      tpu.yield
    }) : () -> ()
    %dma_wait3A_55 = arith.constant 0 : i32
    %dma_wait3A_56 = tpu.memref_slice %arg8[%add3A, %dma_wait3A_55] : memref<32x16384xf32, #tpu.memory_space<hbm>> -> memref<1x16384xf32, #tpu.memory_space<hbm>>
    %dma_wait3A_57 = tpu.memref_squeeze %dma_wait3A_56 : memref<1x16384xf32, #tpu.memory_space<hbm>> -> memref<16384xf32, #tpu.memory_space<hbm>>
    %dma_wait3A_58 = arith.constant 0 : i32
    %dma_wait3A_59 = tpu.memref_slice %arg8[%add3A, %dma_wait3A_58] : memref<32x16384xf32, #tpu.memory_space<hbm>> -> memref<1x16384xf32, #tpu.memory_space<hbm>>
    %dma_wait3A_60 = tpu.memref_squeeze %dma_wait3A_59 : memref<1x16384xf32, #tpu.memory_space<hbm>> -> memref<16384xf32, #tpu.memory_space<hbm>>
    tpu.wait_dma2 semaphore(%arg17 : memref<!tpu.dma_semaphore, #tpu.memory_space<semaphore_mem>>) src(%arg12 : memref<16384xf32, #tpu.memory_space<vmem>>) dst(%dma_wait3A_60 : memref<16384xf32, #tpu.memory_space<hbm>>)
    return
  }
}

#map = affine_map<(d0, d1) -> (0, 0)>
#map1 = affine_map<(d0, d1) -> (0)>
#map2 = affine_map<(d0, d1) -> (0, 0, 0)>
module attributes {stable_mosaic.version = 14 : i64} {
  func.func @body(%arg0: i32, %arg1: i32, %arg2: memref<2560x125xi32, #tpu.memory_space<hbm>>, %arg3: memref<2560x125xi32, #tpu.memory_space<hbm>>, %arg4: memref<320000xi32, #tpu.memory_space<hbm>>, %arg5: memref<10000x128xf32, #tpu.memory_space<hbm>>, %arg6: memref<2048x128xf32, #tpu.memory_space<hbm>>, %arg7: memref<32768xf32, #tpu.memory_space<hbm>>, %arg8: memref<2x2048x128xf32, #tpu.memory_space<hbm>>, %arg9: memref<32x32768xf32, #tpu.memory_space<hbm>>, %arg10: memref<80x125xi32, #tpu.memory_space<vmem>>, %arg11: memref<80x125xi32, #tpu.memory_space<vmem>>, %arg12: memref<10000xi32, #tpu.memory_space<vmem>>, %arg13: memref<2x125x128xf32, #tpu.memory_space<vmem>>, %arg14: memref<32768xf32, #tpu.memory_space<vmem>>, %arg15: memref<2048x128xf32, #tpu.memory_space<vmem_shared>>, %arg16: memref<!tpu.dma_semaphore, #tpu.memory_space<semaphore_mem>>, %arg17: memref<!tpu.dma_semaphore, #tpu.memory_space<semaphore_mem>>, %arg18: memref<!tpu.dma_semaphore, #tpu.memory_space<semaphore_mem>>, %arg19: memref<!tpu.dma_semaphore, #tpu.memory_space<semaphore_mem>>) attributes {dimension_semantics = [#tpu.dimension_semantics<core_parallel>, #tpu.dimension_semantics<subcore_parallel>], iteration_bounds = array<i64: 2, 16>, scalar_prefetch = 0 : i64, scratch_operands = 10 : i64, tpu.core_type = #tpu.core_type<sc_vector_subcore>, window_params = [{transform_indices = #map}, {transform_indices = #map}, {transform_indices = #map1}, {transform_indices = #map}, {transform_indices = #map}, {transform_indices = #map1}, {transform_indices = #map2}, {transform_indices = #map}]} {
    %mul3A = arith.constant 2 : i32
    %mul3A_0 = arith.muli %arg1, %mul3A : i32
    %add3A = arith.addi %mul3A_0, %arg0 : i32
    %mul3A_1 = arith.constant 80 : i32
    %mul3A_2 = arith.muli %add3A, %mul3A_1 : i32
    %dma_start3A = arith.constant 0 : i32
    %dma_start3A_3 = tpu.memref_slice %arg2[%mul3A_2, %dma_start3A] : memref<2560x125xi32, #tpu.memory_space<hbm>> -> memref<80x125xi32, #tpu.memory_space<hbm>>
    %dma_start3A_4 = arith.constant 0 : i32
    %dma_start3A_5 = tpu.memref_slice %arg2[%mul3A_2, %dma_start3A_4] : memref<2560x125xi32, #tpu.memory_space<hbm>> -> memref<80x125xi32, #tpu.memory_space<hbm>>
    tpu.enqueue_dma source(%dma_start3A_5 : memref<80x125xi32, #tpu.memory_space<hbm>>) target(%arg10 : memref<80x125xi32, #tpu.memory_space<vmem>>) target_semaphore(%arg16 : memref<!tpu.dma_semaphore, #tpu.memory_space<semaphore_mem>>)
    %dma_start3A_6 = arith.constant 0 : i32
    %dma_start3A_7 = tpu.memref_slice %arg3[%mul3A_2, %dma_start3A_6] : memref<2560x125xi32, #tpu.memory_space<hbm>> -> memref<80x125xi32, #tpu.memory_space<hbm>>
    %dma_start3A_8 = arith.constant 0 : i32
    %dma_start3A_9 = tpu.memref_slice %arg3[%mul3A_2, %dma_start3A_8] : memref<2560x125xi32, #tpu.memory_space<hbm>> -> memref<80x125xi32, #tpu.memory_space<hbm>>
    tpu.enqueue_dma source(%dma_start3A_9 : memref<80x125xi32, #tpu.memory_space<hbm>>) target(%arg11 : memref<80x125xi32, #tpu.memory_space<vmem>>) target_semaphore(%arg17 : memref<!tpu.dma_semaphore, #tpu.memory_space<semaphore_mem>>)
    %mul3A_10 = arith.constant 10000 : i32
    %mul3A_11 = arith.muli %add3A, %mul3A_10 : i32
    %dma_start3A_12 = tpu.memref_slice %arg4[%mul3A_11] : memref<320000xi32, #tpu.memory_space<hbm>> -> memref<10000xi32, #tpu.memory_space<hbm>>
    %dma_start3A_13 = tpu.memref_slice %arg4[%mul3A_11] : memref<320000xi32, #tpu.memory_space<hbm>> -> memref<10000xi32, #tpu.memory_space<hbm>>
    tpu.enqueue_dma source(%dma_start3A_13 : memref<10000xi32, #tpu.memory_space<hbm>>) target(%arg12 : memref<10000xi32, #tpu.memory_space<vmem>>) target_semaphore(%arg18 : memref<!tpu.dma_semaphore, #tpu.memory_space<semaphore_mem>>)
    tpu.enqueue_dma source(%arg7 : memref<32768xf32, #tpu.memory_space<hbm>>) target(%arg14 : memref<32768xf32, #tpu.memory_space<vmem>>) target_semaphore(%arg19 : memref<!tpu.dma_semaphore, #tpu.memory_space<semaphore_mem>>)
    %mul3A_14 = arith.constant 128 : i32
    %mul3A_15 = arith.muli %arg1, %mul3A_14 : i32
    "tpu.region"() ({
      %run_scoped3A = tpu.sem_alloc : memref<!tpu.dma_semaphore, #tpu.memory_space<semaphore_mem>>
      %dma_start3A_67 = arith.constant 0 : i32
      %dma_start3A_68 = tpu.memref_slice %arg15[%mul3A_15, %dma_start3A_67] : memref<2048x128xf32, #tpu.memory_space<vmem_shared>> -> memref<128x128xf32, #tpu.memory_space<vmem_shared>>
      %dma_start3A_69 = arith.constant 0 : i32
      %dma_start3A_70 = tpu.memref_slice %arg6[%mul3A_15, %dma_start3A_69] : memref<2048x128xf32, #tpu.memory_space<hbm>> -> memref<128x128xf32, #tpu.memory_space<hbm>>
      tpu.enqueue_dma source(%dma_start3A_70 : memref<128x128xf32, #tpu.memory_space<hbm>>) target(%dma_start3A_68 : memref<128x128xf32, #tpu.memory_space<vmem_shared>>) target_semaphore(%run_scoped3A : memref<!tpu.dma_semaphore, #tpu.memory_space<semaphore_mem>>)
      %dma_wait3A_71 = arith.constant 0 : i32
      %dma_wait3A_72 = tpu.memref_slice %arg15[%mul3A_15, %dma_wait3A_71] : memref<2048x128xf32, #tpu.memory_space<vmem_shared>> -> memref<128x128xf32, #tpu.memory_space<vmem_shared>>
      %dma_wait3A_73 = arith.constant 0 : i32
      %dma_wait3A_74 = tpu.memref_slice %arg6[%mul3A_15, %dma_wait3A_73] : memref<2048x128xf32, #tpu.memory_space<hbm>> -> memref<128x128xf32, #tpu.memory_space<hbm>>
      tpu.wait_dma2 semaphore(%run_scoped3A : memref<!tpu.dma_semaphore, #tpu.memory_space<semaphore_mem>>) src(%dma_wait3A_74 : memref<128x128xf32, #tpu.memory_space<hbm>>) dst(%dma_wait3A_72 : memref<128x128xf32, #tpu.memory_space<vmem_shared>>)
      tpu.yield
    }) : () -> ()
    %dma_wait3A = arith.constant 0 : i32
    %dma_wait3A_16 = tpu.memref_slice %arg2[%mul3A_2, %dma_wait3A] : memref<2560x125xi32, #tpu.memory_space<hbm>> -> memref<80x125xi32, #tpu.memory_space<hbm>>
    %dma_wait3A_17 = arith.constant 0 : i32
    %dma_wait3A_18 = tpu.memref_slice %arg2[%mul3A_2, %dma_wait3A_17] : memref<2560x125xi32, #tpu.memory_space<hbm>> -> memref<80x125xi32, #tpu.memory_space<hbm>>
    tpu.wait_dma2 semaphore(%arg16 : memref<!tpu.dma_semaphore, #tpu.memory_space<semaphore_mem>>) src(%dma_wait3A_18 : memref<80x125xi32, #tpu.memory_space<hbm>>) dst(%arg10 : memref<80x125xi32, #tpu.memory_space<vmem>>)
    %dma_wait3A_19 = arith.constant 0 : i32
    %dma_wait3A_20 = tpu.memref_slice %arg3[%mul3A_2, %dma_wait3A_19] : memref<2560x125xi32, #tpu.memory_space<hbm>> -> memref<80x125xi32, #tpu.memory_space<hbm>>
    %dma_wait3A_21 = arith.constant 0 : i32
    %dma_wait3A_22 = tpu.memref_slice %arg3[%mul3A_2, %dma_wait3A_21] : memref<2560x125xi32, #tpu.memory_space<hbm>> -> memref<80x125xi32, #tpu.memory_space<hbm>>
    tpu.wait_dma2 semaphore(%arg17 : memref<!tpu.dma_semaphore, #tpu.memory_space<semaphore_mem>>) src(%dma_wait3A_22 : memref<80x125xi32, #tpu.memory_space<hbm>>) dst(%arg11 : memref<80x125xi32, #tpu.memory_space<vmem>>)
    %dma_start3A_23 = arith.constant 0 : i32
    %dma_start3A_24 = arith.constant 0 : i32
    %dma_start3A_25 = arith.constant 0 : i32
    %dma_start3A_26 = arith.constant 0 : i32
    %dma_start3A_27 = tpu.memref_slice %arg13[%dma_start3A_24, %dma_start3A_25, %dma_start3A_26] : memref<2x125x128xf32, #tpu.memory_space<vmem>> -> memref<1x125x128xf32, #tpu.memory_space<vmem>>
    %dma_start3A_28 = tpu.memref_squeeze %dma_start3A_27 : memref<1x125x128xf32, #tpu.memory_space<vmem>> -> memref<125x128xf32, #tpu.memory_space<vmem>>
    %dma_start3A_29 = arith.constant 0 : i32
    %dma_start3A_30 = tpu.memref_slice %arg10[%dma_start3A_23, %dma_start3A_29] : memref<80x125xi32, #tpu.memory_space<vmem>> -> memref<1x125xi32, #tpu.memory_space<vmem>>
    %dma_start3A_31 = tpu.memref_squeeze %dma_start3A_30 : memref<1x125xi32, #tpu.memory_space<vmem>> -> memref<125xi32, #tpu.memory_space<vmem>>
    %dma_start3A_32 = arith.constant 0 : i32
    %dma_start3A_33 = arith.constant 0 : i32
    %dma_start3A_34 = tpu.memref_slice %arg5[%dma_start3A_32, %dma_start3A_33] : memref<10000x128xf32, #tpu.memory_space<hbm>> -> memref<10000x128xf32, #tpu.memory_space<hbm>>
    tpu.enqueue_indirect_dma source(%dma_start3A_34 : memref<10000x128xf32, #tpu.memory_space<hbm>>) target(%dma_start3A_28 : memref<125x128xf32, #tpu.memory_space<vmem>>) offsets(%dma_start3A_31 : memref<125xi32, #tpu.memory_space<vmem>>) semaphore(%arg16 : memref<!tpu.dma_semaphore, #tpu.memory_space<semaphore_mem>>)
    %dma_start3A_35 = arith.constant 1 : i32
    %dma_start3A_36 = arith.constant 1 : i32
    %dma_start3A_37 = arith.constant 0 : i32
    %dma_start3A_38 = arith.constant 0 : i32
    %dma_start3A_39 = tpu.memref_slice %arg13[%dma_start3A_36, %dma_start3A_37, %dma_start3A_38] : memref<2x125x128xf32, #tpu.memory_space<vmem>> -> memref<1x125x128xf32, #tpu.memory_space<vmem>>
    %dma_start3A_40 = tpu.memref_squeeze %dma_start3A_39 : memref<1x125x128xf32, #tpu.memory_space<vmem>> -> memref<125x128xf32, #tpu.memory_space<vmem>>
    %dma_start3A_41 = arith.constant 0 : i32
    %dma_start3A_42 = tpu.memref_slice %arg10[%dma_start3A_35, %dma_start3A_41] : memref<80x125xi32, #tpu.memory_space<vmem>> -> memref<1x125xi32, #tpu.memory_space<vmem>>
    %dma_start3A_43 = tpu.memref_squeeze %dma_start3A_42 : memref<1x125xi32, #tpu.memory_space<vmem>> -> memref<125xi32, #tpu.memory_space<vmem>>
    %dma_start3A_44 = arith.constant 0 : i32
    %dma_start3A_45 = arith.constant 0 : i32
    %dma_start3A_46 = tpu.memref_slice %arg5[%dma_start3A_44, %dma_start3A_45] : memref<10000x128xf32, #tpu.memory_space<hbm>> -> memref<10000x128xf32, #tpu.memory_space<hbm>>
    tpu.enqueue_indirect_dma source(%dma_start3A_46 : memref<10000x128xf32, #tpu.memory_space<hbm>>) target(%dma_start3A_40 : memref<125x128xf32, #tpu.memory_space<vmem>>) offsets(%dma_start3A_43 : memref<125xi32, #tpu.memory_space<vmem>>) semaphore(%arg17 : memref<!tpu.dma_semaphore, #tpu.memory_space<semaphore_mem>>)
    %dma_wait3A_47 = tpu.memref_slice %arg4[%mul3A_11] : memref<320000xi32, #tpu.memory_space<hbm>> -> memref<10000xi32, #tpu.memory_space<hbm>>
    %dma_wait3A_48 = tpu.memref_slice %arg4[%mul3A_11] : memref<320000xi32, #tpu.memory_space<hbm>> -> memref<10000xi32, #tpu.memory_space<hbm>>
    tpu.wait_dma2 semaphore(%arg18 : memref<!tpu.dma_semaphore, #tpu.memory_space<semaphore_mem>>) src(%dma_wait3A_48 : memref<10000xi32, #tpu.memory_space<hbm>>) dst(%arg12 : memref<10000xi32, #tpu.memory_space<vmem>>)
    tpu.wait_dma2 semaphore(%arg19 : memref<!tpu.dma_semaphore, #tpu.memory_space<semaphore_mem>>) src(%arg7 : memref<32768xf32, #tpu.memory_space<hbm>>) dst(%arg14 : memref<32768xf32, #tpu.memory_space<vmem>>)
    %barrier3A = arith.constant 0 : index
    tpu.barrier barrier_id(%barrier3A)
    %iota3A = tpu.iota {dimensions = array<i32: 0>} : vector<16xi32>
    %broadcast_in_dim3A = arith.constant 1.000000e+00 : f32
    %broadcast_in_dim3A_49 = vector.broadcast %broadcast_in_dim3A : f32 to vector<16xf32>
    %scan3A = arith.constant 0 : i32
    %scan3A_50 = arith.constant 40 : i32
    %scan3A_51 = arith.addi %scan3A, %scan3A_50 : i32
    %scan3A_52 = arith.constant 1 : i32
    scf.for %scan3A_67 = %scan3A to %scan3A_51 step %scan3A_52  : i32 {
      %mul3A_68 = arith.constant 2 : i32
      %mul3A_69 = arith.muli %scan3A_67, %mul3A_68 : i32
      %add3A_70 = arith.constant 0 : i32
      %add3A_71 = arith.addi %add3A_70, %mul3A_69 : i32
      %add3A_72 = arith.constant 0 : i32
      %add3A_73 = arith.addi %add3A_71, %add3A_72 : i32
      %dma_wait3A_74 = arith.constant 0 : i32
      %dma_wait3A_75 = arith.constant 0 : i32
      %dma_wait3A_76 = arith.constant 0 : i32
      %dma_wait3A_77 = tpu.memref_slice %arg13[%dma_wait3A_74, %dma_wait3A_75, %dma_wait3A_76] : memref<2x125x128xf32, #tpu.memory_space<vmem>> -> memref<1x125x128xf32, #tpu.memory_space<vmem>>
      %dma_wait3A_78 = tpu.memref_squeeze %dma_wait3A_77 : memref<1x125x128xf32, #tpu.memory_space<vmem>> -> memref<125x128xf32, #tpu.memory_space<vmem>>
      %dma_wait3A_79 = arith.constant 0 : i32
      %dma_wait3A_80 = tpu.memref_slice %arg10[%add3A_73, %dma_wait3A_79] : memref<80x125xi32, #tpu.memory_space<vmem>> -> memref<1x125xi32, #tpu.memory_space<vmem>>
      %dma_wait3A_81 = tpu.memref_squeeze %dma_wait3A_80 : memref<1x125xi32, #tpu.memory_space<vmem>> -> memref<125xi32, #tpu.memory_space<vmem>>
      %dma_wait3A_82 = arith.constant 0 : i32
      %dma_wait3A_83 = arith.constant 0 : i32
      %dma_wait3A_84 = tpu.memref_slice %arg5[%dma_wait3A_82, %dma_wait3A_83] : memref<10000x128xf32, #tpu.memory_space<hbm>> -> memref<10000x128xf32, #tpu.memory_space<hbm>>
      tpu.wait_indirect_dma semaphore(%arg16 : memref<!tpu.dma_semaphore, #tpu.memory_space<semaphore_mem>>) src(%dma_wait3A_84 : memref<10000x128xf32, #tpu.memory_space<hbm>>) dst(%dma_wait3A_78 : memref<125x128xf32, #tpu.memory_space<vmem>>)
      %dma_start3A_85 = arith.constant 0 : i32
      %dma_start3A_86 = arith.constant 0 : i32
      %dma_start3A_87 = arith.constant 0 : i32
      %dma_start3A_88 = tpu.memref_slice %arg13[%dma_start3A_85, %dma_start3A_86, %dma_start3A_87] : memref<2x125x128xf32, #tpu.memory_space<vmem>> -> memref<1x125x128xf32, #tpu.memory_space<vmem>>
      %dma_start3A_89 = tpu.memref_squeeze %dma_start3A_88 : memref<1x125x128xf32, #tpu.memory_space<vmem>> -> memref<125x128xf32, #tpu.memory_space<vmem>>
      %dma_start3A_90 = arith.constant 0 : i32
      %dma_start3A_91 = tpu.memref_slice %arg11[%add3A_73, %dma_start3A_90] : memref<80x125xi32, #tpu.memory_space<vmem>> -> memref<1x125xi32, #tpu.memory_space<vmem>>
      %dma_start3A_92 = tpu.memref_squeeze %dma_start3A_91 : memref<1x125xi32, #tpu.memory_space<vmem>> -> memref<125xi32, #tpu.memory_space<vmem>>
      %dma_start3A_93 = arith.constant 0 : i32
      %dma_start3A_94 = arith.constant 0 : i32
      %dma_start3A_95 = tpu.memref_slice %arg15[%dma_start3A_93, %dma_start3A_94] : memref<2048x128xf32, #tpu.memory_space<vmem_shared>> -> memref<2048x128xf32, #tpu.memory_space<vmem_shared>>
      tpu.enqueue_indirect_dma source(%dma_start3A_89 : memref<125x128xf32, #tpu.memory_space<vmem>>) target(%dma_start3A_95 : memref<2048x128xf32, #tpu.memory_space<vmem_shared>>) offsets(%dma_start3A_92 : memref<125xi32, #tpu.memory_space<vmem>>) semaphore(%arg18 : memref<!tpu.dma_semaphore, #tpu.memory_space<semaphore_mem>>) {add = true}
      %mul3A_96 = arith.constant 8 : i32
      %mul3A_97 = arith.muli %add3A_73, %mul3A_96 : i32
      %add3A_98 = arith.constant 0 : i32
      %add3A_99 = arith.addi %mul3A_97, %add3A_98 : i32
      %lt3A = arith.constant 625 : i32
      %lt3A_100 = arith.cmpi slt, %add3A_99, %lt3A : i32
      %convert_element_type3A = arith.extui %lt3A_100 : i1 to i32
      %cond3A = arith.constant 0 : i32
      %cond3A_101 = arith.cmpi ne, %convert_element_type3A, %cond3A : i32
      scf.if %cond3A_101 {
        %mul3A_297 = arith.constant 16 : i32
        %mul3A_298 = arith.muli %add3A_99, %mul3A_297 : i32
        %get3A = arith.index_cast %mul3A_298 : i32 to index
        %get3A_299 = tpu.vector_load %arg12[%get3A] {strides = array<i32>} : memref<10000xi32, #tpu.memory_space<vmem>>, vector<16xi32>,
        %mul3A_300 = arith.constant 16 : i32
        %mul3A_301 = vector.broadcast %mul3A_300 : i32 to vector<16xi32>
        %mul3A_302 = arith.muli %get3A_299, %mul3A_301 : vector<16xi32>
        %add3A_303 = arith.addi %mul3A_302, %iota3A : vector<16xi32>
        tpu.vector_store_idx %arg14[%add3A_303], %broadcast_in_dim3A_49 {add = true} : memref<32768xf32, #tpu.memory_space<vmem>>[vector<16xi32>], vector<16xf32>,
      } else {
      }
      %mul3A_102 = arith.constant 8 : i32
      %mul3A_103 = arith.muli %add3A_73, %mul3A_102 : i32
      %add3A_104 = arith.constant 1 : i32
      %add3A_105 = arith.addi %mul3A_103, %add3A_104 : i32
      %lt3A_106 = arith.constant 625 : i32
      %lt3A_107 = arith.cmpi slt, %add3A_105, %lt3A_106 : i32
      %convert_element_type3A_108 = arith.extui %lt3A_107 : i1 to i32
      %cond3A_109 = arith.constant 0 : i32
      %cond3A_110 = arith.cmpi ne, %convert_element_type3A_108, %cond3A_109 : i32
      scf.if %cond3A_110 {
        %mul3A_297 = arith.constant 16 : i32
        %mul3A_298 = arith.muli %add3A_105, %mul3A_297 : i32
        %get3A = arith.index_cast %mul3A_298 : i32 to index
        %get3A_299 = tpu.vector_load %arg12[%get3A] {strides = array<i32>} : memref<10000xi32, #tpu.memory_space<vmem>>, vector<16xi32>,
        %mul3A_300 = arith.constant 16 : i32
        %mul3A_301 = vector.broadcast %mul3A_300 : i32 to vector<16xi32>
        %mul3A_302 = arith.muli %get3A_299, %mul3A_301 : vector<16xi32>
        %add3A_303 = arith.addi %mul3A_302, %iota3A : vector<16xi32>
        tpu.vector_store_idx %arg14[%add3A_303], %broadcast_in_dim3A_49 {add = true} : memref<32768xf32, #tpu.memory_space<vmem>>[vector<16xi32>], vector<16xf32>,
      } else {
      }
      %mul3A_111 = arith.constant 8 : i32
      %mul3A_112 = arith.muli %add3A_73, %mul3A_111 : i32
      %add3A_113 = arith.constant 2 : i32
      %add3A_114 = arith.addi %mul3A_112, %add3A_113 : i32
      %lt3A_115 = arith.constant 625 : i32
      %lt3A_116 = arith.cmpi slt, %add3A_114, %lt3A_115 : i32
      %convert_element_type3A_117 = arith.extui %lt3A_116 : i1 to i32
      %cond3A_118 = arith.constant 0 : i32
      %cond3A_119 = arith.cmpi ne, %convert_element_type3A_117, %cond3A_118 : i32
      scf.if %cond3A_119 {
        %mul3A_297 = arith.constant 16 : i32
        %mul3A_298 = arith.muli %add3A_114, %mul3A_297 : i32
        %get3A = arith.index_cast %mul3A_298 : i32 to index
        %get3A_299 = tpu.vector_load %arg12[%get3A] {strides = array<i32>} : memref<10000xi32, #tpu.memory_space<vmem>>, vector<16xi32>,
        %mul3A_300 = arith.constant 16 : i32
        %mul3A_301 = vector.broadcast %mul3A_300 : i32 to vector<16xi32>
        %mul3A_302 = arith.muli %get3A_299, %mul3A_301 : vector<16xi32>
        %add3A_303 = arith.addi %mul3A_302, %iota3A : vector<16xi32>
        tpu.vector_store_idx %arg14[%add3A_303], %broadcast_in_dim3A_49 {add = true} : memref<32768xf32, #tpu.memory_space<vmem>>[vector<16xi32>], vector<16xf32>,
      } else {
      }
      %mul3A_120 = arith.constant 8 : i32
      %mul3A_121 = arith.muli %add3A_73, %mul3A_120 : i32
      %add3A_122 = arith.constant 3 : i32
      %add3A_123 = arith.addi %mul3A_121, %add3A_122 : i32
      %lt3A_124 = arith.constant 625 : i32
      %lt3A_125 = arith.cmpi slt, %add3A_123, %lt3A_124 : i32
      %convert_element_type3A_126 = arith.extui %lt3A_125 : i1 to i32
      %cond3A_127 = arith.constant 0 : i32
      %cond3A_128 = arith.cmpi ne, %convert_element_type3A_126, %cond3A_127 : i32
      scf.if %cond3A_128 {
        %mul3A_297 = arith.constant 16 : i32
        %mul3A_298 = arith.muli %add3A_123, %mul3A_297 : i32
        %get3A = arith.index_cast %mul3A_298 : i32 to index
        %get3A_299 = tpu.vector_load %arg12[%get3A] {strides = array<i32>} : memref<10000xi32, #tpu.memory_space<vmem>>, vector<16xi32>,
        %mul3A_300 = arith.constant 16 : i32
        %mul3A_301 = vector.broadcast %mul3A_300 : i32 to vector<16xi32>
        %mul3A_302 = arith.muli %get3A_299, %mul3A_301 : vector<16xi32>
        %add3A_303 = arith.addi %mul3A_302, %iota3A : vector<16xi32>
        tpu.vector_store_idx %arg14[%add3A_303], %broadcast_in_dim3A_49 {add = true} : memref<32768xf32, #tpu.memory_space<vmem>>[vector<16xi32>], vector<16xf32>,
      } else {
      }
      %mul3A_129 = arith.constant 8 : i32
      %mul3A_130 = arith.muli %add3A_73, %mul3A_129 : i32
      %add3A_131 = arith.constant 4 : i32
      %add3A_132 = arith.addi %mul3A_130, %add3A_131 : i32
      %lt3A_133 = arith.constant 625 : i32
      %lt3A_134 = arith.cmpi slt, %add3A_132, %lt3A_133 : i32
      %convert_element_type3A_135 = arith.extui %lt3A_134 : i1 to i32
      %cond3A_136 = arith.constant 0 : i32
      %cond3A_137 = arith.cmpi ne, %convert_element_type3A_135, %cond3A_136 : i32
      scf.if %cond3A_137 {
        %mul3A_297 = arith.constant 16 : i32
        %mul3A_298 = arith.muli %add3A_132, %mul3A_297 : i32
        %get3A = arith.index_cast %mul3A_298 : i32 to index
        %get3A_299 = tpu.vector_load %arg12[%get3A] {strides = array<i32>} : memref<10000xi32, #tpu.memory_space<vmem>>, vector<16xi32>,
        %mul3A_300 = arith.constant 16 : i32
        %mul3A_301 = vector.broadcast %mul3A_300 : i32 to vector<16xi32>
        %mul3A_302 = arith.muli %get3A_299, %mul3A_301 : vector<16xi32>
        %add3A_303 = arith.addi %mul3A_302, %iota3A : vector<16xi32>
        tpu.vector_store_idx %arg14[%add3A_303], %broadcast_in_dim3A_49 {add = true} : memref<32768xf32, #tpu.memory_space<vmem>>[vector<16xi32>], vector<16xf32>,
      } else {
      }
      %mul3A_138 = arith.constant 8 : i32
      %mul3A_139 = arith.muli %add3A_73, %mul3A_138 : i32
      %add3A_140 = arith.constant 5 : i32
      %add3A_141 = arith.addi %mul3A_139, %add3A_140 : i32
      %lt3A_142 = arith.constant 625 : i32
      %lt3A_143 = arith.cmpi slt, %add3A_141, %lt3A_142 : i32
      %convert_element_type3A_144 = arith.extui %lt3A_143 : i1 to i32
      %cond3A_145 = arith.constant 0 : i32
      %cond3A_146 = arith.cmpi ne, %convert_element_type3A_144, %cond3A_145 : i32
      scf.if %cond3A_146 {
        %mul3A_297 = arith.constant 16 : i32
        %mul3A_298 = arith.muli %add3A_141, %mul3A_297 : i32
        %get3A = arith.index_cast %mul3A_298 : i32 to index
        %get3A_299 = tpu.vector_load %arg12[%get3A] {strides = array<i32>} : memref<10000xi32, #tpu.memory_space<vmem>>, vector<16xi32>,
        %mul3A_300 = arith.constant 16 : i32
        %mul3A_301 = vector.broadcast %mul3A_300 : i32 to vector<16xi32>
        %mul3A_302 = arith.muli %get3A_299, %mul3A_301 : vector<16xi32>
        %add3A_303 = arith.addi %mul3A_302, %iota3A : vector<16xi32>
        tpu.vector_store_idx %arg14[%add3A_303], %broadcast_in_dim3A_49 {add = true} : memref<32768xf32, #tpu.memory_space<vmem>>[vector<16xi32>], vector<16xf32>,
      } else {
      }
      %mul3A_147 = arith.constant 8 : i32
      %mul3A_148 = arith.muli %add3A_73, %mul3A_147 : i32
      %add3A_149 = arith.constant 6 : i32
      %add3A_150 = arith.addi %mul3A_148, %add3A_149 : i32
      %lt3A_151 = arith.constant 625 : i32
      %lt3A_152 = arith.cmpi slt, %add3A_150, %lt3A_151 : i32
      %convert_element_type3A_153 = arith.extui %lt3A_152 : i1 to i32
      %cond3A_154 = arith.constant 0 : i32
      %cond3A_155 = arith.cmpi ne, %convert_element_type3A_153, %cond3A_154 : i32
      scf.if %cond3A_155 {
        %mul3A_297 = arith.constant 16 : i32
        %mul3A_298 = arith.muli %add3A_150, %mul3A_297 : i32
        %get3A = arith.index_cast %mul3A_298 : i32 to index
        %get3A_299 = tpu.vector_load %arg12[%get3A] {strides = array<i32>} : memref<10000xi32, #tpu.memory_space<vmem>>, vector<16xi32>,
        %mul3A_300 = arith.constant 16 : i32
        %mul3A_301 = vector.broadcast %mul3A_300 : i32 to vector<16xi32>
        %mul3A_302 = arith.muli %get3A_299, %mul3A_301 : vector<16xi32>
        %add3A_303 = arith.addi %mul3A_302, %iota3A : vector<16xi32>
        tpu.vector_store_idx %arg14[%add3A_303], %broadcast_in_dim3A_49 {add = true} : memref<32768xf32, #tpu.memory_space<vmem>>[vector<16xi32>], vector<16xf32>,
      } else {
      }
      %mul3A_156 = arith.constant 8 : i32
      %mul3A_157 = arith.muli %add3A_73, %mul3A_156 : i32
      %add3A_158 = arith.constant 7 : i32
      %add3A_159 = arith.addi %mul3A_157, %add3A_158 : i32
      %lt3A_160 = arith.constant 625 : i32
      %lt3A_161 = arith.cmpi slt, %add3A_159, %lt3A_160 : i32
      %convert_element_type3A_162 = arith.extui %lt3A_161 : i1 to i32
      %cond3A_163 = arith.constant 0 : i32
      %cond3A_164 = arith.cmpi ne, %convert_element_type3A_162, %cond3A_163 : i32
      scf.if %cond3A_164 {
        %mul3A_297 = arith.constant 16 : i32
        %mul3A_298 = arith.muli %add3A_159, %mul3A_297 : i32
        %get3A = arith.index_cast %mul3A_298 : i32 to index
        %get3A_299 = tpu.vector_load %arg12[%get3A] {strides = array<i32>} : memref<10000xi32, #tpu.memory_space<vmem>>, vector<16xi32>,
        %mul3A_300 = arith.constant 16 : i32
        %mul3A_301 = vector.broadcast %mul3A_300 : i32 to vector<16xi32>
        %mul3A_302 = arith.muli %get3A_299, %mul3A_301 : vector<16xi32>
        %add3A_303 = arith.addi %mul3A_302, %iota3A : vector<16xi32>
        tpu.vector_store_idx %arg14[%add3A_303], %broadcast_in_dim3A_49 {add = true} : memref<32768xf32, #tpu.memory_space<vmem>>[vector<16xi32>], vector<16xf32>,
      } else {
      }
      %dma_wait3A_165 = arith.constant 0 : i32
      %dma_wait3A_166 = arith.constant 0 : i32
      %dma_wait3A_167 = arith.constant 0 : i32
      %dma_wait3A_168 = tpu.memref_slice %arg13[%dma_wait3A_165, %dma_wait3A_166, %dma_wait3A_167] : memref<2x125x128xf32, #tpu.memory_space<vmem>> -> memref<1x125x128xf32, #tpu.memory_space<vmem>>
      %dma_wait3A_169 = tpu.memref_squeeze %dma_wait3A_168 : memref<1x125x128xf32, #tpu.memory_space<vmem>> -> memref<125x128xf32, #tpu.memory_space<vmem>>
      %dma_wait3A_170 = arith.constant 0 : i32
      %dma_wait3A_171 = tpu.memref_slice %arg11[%add3A_73, %dma_wait3A_170] : memref<80x125xi32, #tpu.memory_space<vmem>> -> memref<1x125xi32, #tpu.memory_space<vmem>>
      %dma_wait3A_172 = tpu.memref_squeeze %dma_wait3A_171 : memref<1x125xi32, #tpu.memory_space<vmem>> -> memref<125xi32, #tpu.memory_space<vmem>>
      %dma_wait3A_173 = arith.constant 0 : i32
      %dma_wait3A_174 = arith.constant 0 : i32
      %dma_wait3A_175 = tpu.memref_slice %arg15[%dma_wait3A_173, %dma_wait3A_174] : memref<2048x128xf32, #tpu.memory_space<vmem_shared>> -> memref<2048x128xf32, #tpu.memory_space<vmem_shared>>
      tpu.wait_indirect_dma semaphore(%arg18 : memref<!tpu.dma_semaphore, #tpu.memory_space<semaphore_mem>>) src(%dma_wait3A_169 : memref<125x128xf32, #tpu.memory_space<vmem>>) dst(%dma_wait3A_175 : memref<2048x128xf32, #tpu.memory_space<vmem_shared>>)
      %add3A_176 = arith.constant 2 : i32
      %add3A_177 = arith.addi %add3A_73, %add3A_176 : i32
      %lt3A_178 = arith.constant 80 : i32
      %lt3A_179 = arith.cmpi slt, %add3A_177, %lt3A_178 : i32
      %convert_element_type3A_180 = arith.extui %lt3A_179 : i1 to i32
      %cond3A_181 = arith.constant 0 : i32
      %cond3A_182 = arith.cmpi ne, %convert_element_type3A_180, %cond3A_181 : i32
      scf.if %cond3A_182 {
        %add3A_297 = arith.constant 2 : i32
        %add3A_298 = arith.addi %add3A_73, %add3A_297 : i32
        %dma_start3A_299 = arith.constant 0 : i32
        %dma_start3A_300 = arith.constant 0 : i32
        %dma_start3A_301 = arith.constant 0 : i32
        %dma_start3A_302 = tpu.memref_slice %arg13[%dma_start3A_299, %dma_start3A_300, %dma_start3A_301] : memref<2x125x128xf32, #tpu.memory_space<vmem>> -> memref<1x125x128xf32, #tpu.memory_space<vmem>>
        %dma_start3A_303 = tpu.memref_squeeze %dma_start3A_302 : memref<1x125x128xf32, #tpu.memory_space<vmem>> -> memref<125x128xf32, #tpu.memory_space<vmem>>
        %dma_start3A_304 = arith.constant 0 : i32
        %dma_start3A_305 = tpu.memref_slice %arg10[%add3A_298, %dma_start3A_304] : memref<80x125xi32, #tpu.memory_space<vmem>> -> memref<1x125xi32, #tpu.memory_space<vmem>>
        %dma_start3A_306 = tpu.memref_squeeze %dma_start3A_305 : memref<1x125xi32, #tpu.memory_space<vmem>> -> memref<125xi32, #tpu.memory_space<vmem>>
        %dma_start3A_307 = arith.constant 0 : i32
        %dma_start3A_308 = arith.constant 0 : i32
        %dma_start3A_309 = tpu.memref_slice %arg5[%dma_start3A_307, %dma_start3A_308] : memref<10000x128xf32, #tpu.memory_space<hbm>> -> memref<10000x128xf32, #tpu.memory_space<hbm>>
        tpu.enqueue_indirect_dma source(%dma_start3A_309 : memref<10000x128xf32, #tpu.memory_space<hbm>>) target(%dma_start3A_303 : memref<125x128xf32, #tpu.memory_space<vmem>>) offsets(%dma_start3A_306 : memref<125xi32, #tpu.memory_space<vmem>>) semaphore(%arg16 : memref<!tpu.dma_semaphore, #tpu.memory_space<semaphore_mem>>)
      } else {
      }
      %add3A_183 = arith.constant 1 : i32
      %add3A_184 = arith.addi %add3A_71, %add3A_183 : i32
      %dma_wait3A_185 = arith.constant 1 : i32
      %dma_wait3A_186 = arith.constant 0 : i32
      %dma_wait3A_187 = arith.constant 0 : i32
      %dma_wait3A_188 = tpu.memref_slice %arg13[%dma_wait3A_185, %dma_wait3A_186, %dma_wait3A_187] : memref<2x125x128xf32, #tpu.memory_space<vmem>> -> memref<1x125x128xf32, #tpu.memory_space<vmem>>
      %dma_wait3A_189 = tpu.memref_squeeze %dma_wait3A_188 : memref<1x125x128xf32, #tpu.memory_space<vmem>> -> memref<125x128xf32, #tpu.memory_space<vmem>>
      %dma_wait3A_190 = arith.constant 0 : i32
      %dma_wait3A_191 = tpu.memref_slice %arg10[%add3A_184, %dma_wait3A_190] : memref<80x125xi32, #tpu.memory_space<vmem>> -> memref<1x125xi32, #tpu.memory_space<vmem>>
      %dma_wait3A_192 = tpu.memref_squeeze %dma_wait3A_191 : memref<1x125xi32, #tpu.memory_space<vmem>> -> memref<125xi32, #tpu.memory_space<vmem>>
      %dma_wait3A_193 = arith.constant 0 : i32
      %dma_wait3A_194 = arith.constant 0 : i32
      %dma_wait3A_195 = tpu.memref_slice %arg5[%dma_wait3A_193, %dma_wait3A_194] : memref<10000x128xf32, #tpu.memory_space<hbm>> -> memref<10000x128xf32, #tpu.memory_space<hbm>>
      tpu.wait_indirect_dma semaphore(%arg17 : memref<!tpu.dma_semaphore, #tpu.memory_space<semaphore_mem>>) src(%dma_wait3A_195 : memref<10000x128xf32, #tpu.memory_space<hbm>>) dst(%dma_wait3A_189 : memref<125x128xf32, #tpu.memory_space<vmem>>)
      %dma_start3A_196 = arith.constant 1 : i32
      %dma_start3A_197 = arith.constant 0 : i32
      %dma_start3A_198 = arith.constant 0 : i32
      %dma_start3A_199 = tpu.memref_slice %arg13[%dma_start3A_196, %dma_start3A_197, %dma_start3A_198] : memref<2x125x128xf32, #tpu.memory_space<vmem>> -> memref<1x125x128xf32, #tpu.memory_space<vmem>>
      %dma_start3A_200 = tpu.memref_squeeze %dma_start3A_199 : memref<1x125x128xf32, #tpu.memory_space<vmem>> -> memref<125x128xf32, #tpu.memory_space<vmem>>
      %dma_start3A_201 = arith.constant 0 : i32
      %dma_start3A_202 = tpu.memref_slice %arg11[%add3A_184, %dma_start3A_201] : memref<80x125xi32, #tpu.memory_space<vmem>> -> memref<1x125xi32, #tpu.memory_space<vmem>>
      %dma_start3A_203 = tpu.memref_squeeze %dma_start3A_202 : memref<1x125xi32, #tpu.memory_space<vmem>> -> memref<125xi32, #tpu.memory_space<vmem>>
      %dma_start3A_204 = arith.constant 0 : i32
      %dma_start3A_205 = arith.constant 0 : i32
      %dma_start3A_206 = tpu.memref_slice %arg15[%dma_start3A_204, %dma_start3A_205] : memref<2048x128xf32, #tpu.memory_space<vmem_shared>> -> memref<2048x128xf32, #tpu.memory_space<vmem_shared>>
      tpu.enqueue_indirect_dma source(%dma_start3A_200 : memref<125x128xf32, #tpu.memory_space<vmem>>) target(%dma_start3A_206 : memref<2048x128xf32, #tpu.memory_space<vmem_shared>>) offsets(%dma_start3A_203 : memref<125xi32, #tpu.memory_space<vmem>>) semaphore(%arg19 : memref<!tpu.dma_semaphore, #tpu.memory_space<semaphore_mem>>) {add = true}
      %mul3A_207 = arith.constant 8 : i32
      %mul3A_208 = arith.muli %add3A_184, %mul3A_207 : i32
      %add3A_209 = arith.constant 0 : i32
      %add3A_210 = arith.addi %mul3A_208, %add3A_209 : i32
      %lt3A_211 = arith.constant 625 : i32
      %lt3A_212 = arith.cmpi slt, %add3A_210, %lt3A_211 : i32
      %convert_element_type3A_213 = arith.extui %lt3A_212 : i1 to i32
      %cond3A_214 = arith.constant 0 : i32
      %cond3A_215 = arith.cmpi ne, %convert_element_type3A_213, %cond3A_214 : i32
      scf.if %cond3A_215 {
        %mul3A_297 = arith.constant 16 : i32
        %mul3A_298 = arith.muli %add3A_210, %mul3A_297 : i32
        %get3A = arith.index_cast %mul3A_298 : i32 to index
        %get3A_299 = tpu.vector_load %arg12[%get3A] {strides = array<i32>} : memref<10000xi32, #tpu.memory_space<vmem>>, vector<16xi32>,
        %mul3A_300 = arith.constant 16 : i32
        %mul3A_301 = vector.broadcast %mul3A_300 : i32 to vector<16xi32>
        %mul3A_302 = arith.muli %get3A_299, %mul3A_301 : vector<16xi32>
        %add3A_303 = arith.addi %mul3A_302, %iota3A : vector<16xi32>
        tpu.vector_store_idx %arg14[%add3A_303], %broadcast_in_dim3A_49 {add = true} : memref<32768xf32, #tpu.memory_space<vmem>>[vector<16xi32>], vector<16xf32>,
      } else {
      }
      %mul3A_216 = arith.constant 8 : i32
      %mul3A_217 = arith.muli %add3A_184, %mul3A_216 : i32
      %add3A_218 = arith.constant 1 : i32
      %add3A_219 = arith.addi %mul3A_217, %add3A_218 : i32
      %lt3A_220 = arith.constant 625 : i32
      %lt3A_221 = arith.cmpi slt, %add3A_219, %lt3A_220 : i32
      %convert_element_type3A_222 = arith.extui %lt3A_221 : i1 to i32
      %cond3A_223 = arith.constant 0 : i32
      %cond3A_224 = arith.cmpi ne, %convert_element_type3A_222, %cond3A_223 : i32
      scf.if %cond3A_224 {
        %mul3A_297 = arith.constant 16 : i32
        %mul3A_298 = arith.muli %add3A_219, %mul3A_297 : i32
        %get3A = arith.index_cast %mul3A_298 : i32 to index
        %get3A_299 = tpu.vector_load %arg12[%get3A] {strides = array<i32>} : memref<10000xi32, #tpu.memory_space<vmem>>, vector<16xi32>,
        %mul3A_300 = arith.constant 16 : i32
        %mul3A_301 = vector.broadcast %mul3A_300 : i32 to vector<16xi32>
        %mul3A_302 = arith.muli %get3A_299, %mul3A_301 : vector<16xi32>
        %add3A_303 = arith.addi %mul3A_302, %iota3A : vector<16xi32>
        tpu.vector_store_idx %arg14[%add3A_303], %broadcast_in_dim3A_49 {add = true} : memref<32768xf32, #tpu.memory_space<vmem>>[vector<16xi32>], vector<16xf32>,
      } else {
      }
      %mul3A_225 = arith.constant 8 : i32
      %mul3A_226 = arith.muli %add3A_184, %mul3A_225 : i32
      %add3A_227 = arith.constant 2 : i32
      %add3A_228 = arith.addi %mul3A_226, %add3A_227 : i32
      %lt3A_229 = arith.constant 625 : i32
      %lt3A_230 = arith.cmpi slt, %add3A_228, %lt3A_229 : i32
      %convert_element_type3A_231 = arith.extui %lt3A_230 : i1 to i32
      %cond3A_232 = arith.constant 0 : i32
      %cond3A_233 = arith.cmpi ne, %convert_element_type3A_231, %cond3A_232 : i32
      scf.if %cond3A_233 {
        %mul3A_297 = arith.constant 16 : i32
        %mul3A_298 = arith.muli %add3A_228, %mul3A_297 : i32
        %get3A = arith.index_cast %mul3A_298 : i32 to index
        %get3A_299 = tpu.vector_load %arg12[%get3A] {strides = array<i32>} : memref<10000xi32, #tpu.memory_space<vmem>>, vector<16xi32>,
        %mul3A_300 = arith.constant 16 : i32
        %mul3A_301 = vector.broadcast %mul3A_300 : i32 to vector<16xi32>
        %mul3A_302 = arith.muli %get3A_299, %mul3A_301 : vector<16xi32>
        %add3A_303 = arith.addi %mul3A_302, %iota3A : vector<16xi32>
        tpu.vector_store_idx %arg14[%add3A_303], %broadcast_in_dim3A_49 {add = true} : memref<32768xf32, #tpu.memory_space<vmem>>[vector<16xi32>], vector<16xf32>,
      } else {
      }
      %mul3A_234 = arith.constant 8 : i32
      %mul3A_235 = arith.muli %add3A_184, %mul3A_234 : i32
      %add3A_236 = arith.constant 3 : i32
      %add3A_237 = arith.addi %mul3A_235, %add3A_236 : i32
      %lt3A_238 = arith.constant 625 : i32
      %lt3A_239 = arith.cmpi slt, %add3A_237, %lt3A_238 : i32
      %convert_element_type3A_240 = arith.extui %lt3A_239 : i1 to i32
      %cond3A_241 = arith.constant 0 : i32
      %cond3A_242 = arith.cmpi ne, %convert_element_type3A_240, %cond3A_241 : i32
      scf.if %cond3A_242 {
        %mul3A_297 = arith.constant 16 : i32
        %mul3A_298 = arith.muli %add3A_237, %mul3A_297 : i32
        %get3A = arith.index_cast %mul3A_298 : i32 to index
        %get3A_299 = tpu.vector_load %arg12[%get3A] {strides = array<i32>} : memref<10000xi32, #tpu.memory_space<vmem>>, vector<16xi32>,
        %mul3A_300 = arith.constant 16 : i32
        %mul3A_301 = vector.broadcast %mul3A_300 : i32 to vector<16xi32>
        %mul3A_302 = arith.muli %get3A_299, %mul3A_301 : vector<16xi32>
        %add3A_303 = arith.addi %mul3A_302, %iota3A : vector<16xi32>
        tpu.vector_store_idx %arg14[%add3A_303], %broadcast_in_dim3A_49 {add = true} : memref<32768xf32, #tpu.memory_space<vmem>>[vector<16xi32>], vector<16xf32>,
      } else {
      }
      %mul3A_243 = arith.constant 8 : i32
      %mul3A_244 = arith.muli %add3A_184, %mul3A_243 : i32
      %add3A_245 = arith.constant 4 : i32
      %add3A_246 = arith.addi %mul3A_244, %add3A_245 : i32
      %lt3A_247 = arith.constant 625 : i32
      %lt3A_248 = arith.cmpi slt, %add3A_246, %lt3A_247 : i32
      %convert_element_type3A_249 = arith.extui %lt3A_248 : i1 to i32
      %cond3A_250 = arith.constant 0 : i32
      %cond3A_251 = arith.cmpi ne, %convert_element_type3A_249, %cond3A_250 : i32
      scf.if %cond3A_251 {
        %mul3A_297 = arith.constant 16 : i32
        %mul3A_298 = arith.muli %add3A_246, %mul3A_297 : i32
        %get3A = arith.index_cast %mul3A_298 : i32 to index
        %get3A_299 = tpu.vector_load %arg12[%get3A] {strides = array<i32>} : memref<10000xi32, #tpu.memory_space<vmem>>, vector<16xi32>,
        %mul3A_300 = arith.constant 16 : i32
        %mul3A_301 = vector.broadcast %mul3A_300 : i32 to vector<16xi32>
        %mul3A_302 = arith.muli %get3A_299, %mul3A_301 : vector<16xi32>
        %add3A_303 = arith.addi %mul3A_302, %iota3A : vector<16xi32>
        tpu.vector_store_idx %arg14[%add3A_303], %broadcast_in_dim3A_49 {add = true} : memref<32768xf32, #tpu.memory_space<vmem>>[vector<16xi32>], vector<16xf32>,
      } else {
      }
      %mul3A_252 = arith.constant 8 : i32
      %mul3A_253 = arith.muli %add3A_184, %mul3A_252 : i32
      %add3A_254 = arith.constant 5 : i32
      %add3A_255 = arith.addi %mul3A_253, %add3A_254 : i32
      %lt3A_256 = arith.constant 625 : i32
      %lt3A_257 = arith.cmpi slt, %add3A_255, %lt3A_256 : i32
      %convert_element_type3A_258 = arith.extui %lt3A_257 : i1 to i32
      %cond3A_259 = arith.constant 0 : i32
      %cond3A_260 = arith.cmpi ne, %convert_element_type3A_258, %cond3A_259 : i32
      scf.if %cond3A_260 {
        %mul3A_297 = arith.constant 16 : i32
        %mul3A_298 = arith.muli %add3A_255, %mul3A_297 : i32
        %get3A = arith.index_cast %mul3A_298 : i32 to index
        %get3A_299 = tpu.vector_load %arg12[%get3A] {strides = array<i32>} : memref<10000xi32, #tpu.memory_space<vmem>>, vector<16xi32>,
        %mul3A_300 = arith.constant 16 : i32
        %mul3A_301 = vector.broadcast %mul3A_300 : i32 to vector<16xi32>
        %mul3A_302 = arith.muli %get3A_299, %mul3A_301 : vector<16xi32>
        %add3A_303 = arith.addi %mul3A_302, %iota3A : vector<16xi32>
        tpu.vector_store_idx %arg14[%add3A_303], %broadcast_in_dim3A_49 {add = true} : memref<32768xf32, #tpu.memory_space<vmem>>[vector<16xi32>], vector<16xf32>,
      } else {
      }
      %mul3A_261 = arith.constant 8 : i32
      %mul3A_262 = arith.muli %add3A_184, %mul3A_261 : i32
      %add3A_263 = arith.constant 6 : i32
      %add3A_264 = arith.addi %mul3A_262, %add3A_263 : i32
      %lt3A_265 = arith.constant 625 : i32
      %lt3A_266 = arith.cmpi slt, %add3A_264, %lt3A_265 : i32
      %convert_element_type3A_267 = arith.extui %lt3A_266 : i1 to i32
      %cond3A_268 = arith.constant 0 : i32
      %cond3A_269 = arith.cmpi ne, %convert_element_type3A_267, %cond3A_268 : i32
      scf.if %cond3A_269 {
        %mul3A_297 = arith.constant 16 : i32
        %mul3A_298 = arith.muli %add3A_264, %mul3A_297 : i32
        %get3A = arith.index_cast %mul3A_298 : i32 to index
        %get3A_299 = tpu.vector_load %arg12[%get3A] {strides = array<i32>} : memref<10000xi32, #tpu.memory_space<vmem>>, vector<16xi32>,
        %mul3A_300 = arith.constant 16 : i32
        %mul3A_301 = vector.broadcast %mul3A_300 : i32 to vector<16xi32>
        %mul3A_302 = arith.muli %get3A_299, %mul3A_301 : vector<16xi32>
        %add3A_303 = arith.addi %mul3A_302, %iota3A : vector<16xi32>
        tpu.vector_store_idx %arg14[%add3A_303], %broadcast_in_dim3A_49 {add = true} : memref<32768xf32, #tpu.memory_space<vmem>>[vector<16xi32>], vector<16xf32>,
      } else {
      }
      %mul3A_270 = arith.constant 8 : i32
      %mul3A_271 = arith.muli %add3A_184, %mul3A_270 : i32
      %add3A_272 = arith.constant 7 : i32
      %add3A_273 = arith.addi %mul3A_271, %add3A_272 : i32
      %lt3A_274 = arith.constant 625 : i32
      %lt3A_275 = arith.cmpi slt, %add3A_273, %lt3A_274 : i32
      %convert_element_type3A_276 = arith.extui %lt3A_275 : i1 to i32
      %cond3A_277 = arith.constant 0 : i32
      %cond3A_278 = arith.cmpi ne, %convert_element_type3A_276, %cond3A_277 : i32
      scf.if %cond3A_278 {
        %mul3A_297 = arith.constant 16 : i32
        %mul3A_298 = arith.muli %add3A_273, %mul3A_297 : i32
        %get3A = arith.index_cast %mul3A_298 : i32 to index
        %get3A_299 = tpu.vector_load %arg12[%get3A] {strides = array<i32>} : memref<10000xi32, #tpu.memory_space<vmem>>, vector<16xi32>,
        %mul3A_300 = arith.constant 16 : i32
        %mul3A_301 = vector.broadcast %mul3A_300 : i32 to vector<16xi32>
        %mul3A_302 = arith.muli %get3A_299, %mul3A_301 : vector<16xi32>
        %add3A_303 = arith.addi %mul3A_302, %iota3A : vector<16xi32>
        tpu.vector_store_idx %arg14[%add3A_303], %broadcast_in_dim3A_49 {add = true} : memref<32768xf32, #tpu.memory_space<vmem>>[vector<16xi32>], vector<16xf32>,
      } else {
      }
      %dma_wait3A_279 = arith.constant 1 : i32
      %dma_wait3A_280 = arith.constant 0 : i32
      %dma_wait3A_281 = arith.constant 0 : i32
      %dma_wait3A_282 = tpu.memref_slice %arg13[%dma_wait3A_279, %dma_wait3A_280, %dma_wait3A_281] : memref<2x125x128xf32, #tpu.memory_space<vmem>> -> memref<1x125x128xf32, #tpu.memory_space<vmem>>
      %dma_wait3A_283 = tpu.memref_squeeze %dma_wait3A_282 : memref<1x125x128xf32, #tpu.memory_space<vmem>> -> memref<125x128xf32, #tpu.memory_space<vmem>>
      %dma_wait3A_284 = arith.constant 0 : i32
      %dma_wait3A_285 = tpu.memref_slice %arg11[%add3A_184, %dma_wait3A_284] : memref<80x125xi32, #tpu.memory_space<vmem>> -> memref<1x125xi32, #tpu.memory_space<vmem>>
      %dma_wait3A_286 = tpu.memref_squeeze %dma_wait3A_285 : memref<1x125xi32, #tpu.memory_space<vmem>> -> memref<125xi32, #tpu.memory_space<vmem>>
      %dma_wait3A_287 = arith.constant 0 : i32
      %dma_wait3A_288 = arith.constant 0 : i32
      %dma_wait3A_289 = tpu.memref_slice %arg15[%dma_wait3A_287, %dma_wait3A_288] : memref<2048x128xf32, #tpu.memory_space<vmem_shared>> -> memref<2048x128xf32, #tpu.memory_space<vmem_shared>>
      tpu.wait_indirect_dma semaphore(%arg19 : memref<!tpu.dma_semaphore, #tpu.memory_space<semaphore_mem>>) src(%dma_wait3A_283 : memref<125x128xf32, #tpu.memory_space<vmem>>) dst(%dma_wait3A_289 : memref<2048x128xf32, #tpu.memory_space<vmem_shared>>)
      %add3A_290 = arith.constant 2 : i32
      %add3A_291 = arith.addi %add3A_184, %add3A_290 : i32
      %lt3A_292 = arith.constant 80 : i32
      %lt3A_293 = arith.cmpi slt, %add3A_291, %lt3A_292 : i32
      %convert_element_type3A_294 = arith.extui %lt3A_293 : i1 to i32
      %cond3A_295 = arith.constant 0 : i32
      %cond3A_296 = arith.cmpi ne, %convert_element_type3A_294, %cond3A_295 : i32
      scf.if %cond3A_296 {
        %add3A_297 = arith.constant 2 : i32
        %add3A_298 = arith.addi %add3A_184, %add3A_297 : i32
        %dma_start3A_299 = arith.constant 1 : i32
        %dma_start3A_300 = arith.constant 0 : i32
        %dma_start3A_301 = arith.constant 0 : i32
        %dma_start3A_302 = tpu.memref_slice %arg13[%dma_start3A_299, %dma_start3A_300, %dma_start3A_301] : memref<2x125x128xf32, #tpu.memory_space<vmem>> -> memref<1x125x128xf32, #tpu.memory_space<vmem>>
        %dma_start3A_303 = tpu.memref_squeeze %dma_start3A_302 : memref<1x125x128xf32, #tpu.memory_space<vmem>> -> memref<125x128xf32, #tpu.memory_space<vmem>>
        %dma_start3A_304 = arith.constant 0 : i32
        %dma_start3A_305 = tpu.memref_slice %arg10[%add3A_298, %dma_start3A_304] : memref<80x125xi32, #tpu.memory_space<vmem>> -> memref<1x125xi32, #tpu.memory_space<vmem>>
        %dma_start3A_306 = tpu.memref_squeeze %dma_start3A_305 : memref<1x125xi32, #tpu.memory_space<vmem>> -> memref<125xi32, #tpu.memory_space<vmem>>
        %dma_start3A_307 = arith.constant 0 : i32
        %dma_start3A_308 = arith.constant 0 : i32
        %dma_start3A_309 = tpu.memref_slice %arg5[%dma_start3A_307, %dma_start3A_308] : memref<10000x128xf32, #tpu.memory_space<hbm>> -> memref<10000x128xf32, #tpu.memory_space<hbm>>
        tpu.enqueue_indirect_dma source(%dma_start3A_309 : memref<10000x128xf32, #tpu.memory_space<hbm>>) target(%dma_start3A_303 : memref<125x128xf32, #tpu.memory_space<vmem>>) offsets(%dma_start3A_306 : memref<125xi32, #tpu.memory_space<vmem>>) semaphore(%arg17 : memref<!tpu.dma_semaphore, #tpu.memory_space<semaphore_mem>>)
      } else {
      }
    }
    %scan3A_53 = arith.constant 40 : i32
    %dma_start3A_54 = arith.constant 0 : i32
    %dma_start3A_55 = tpu.memref_slice %arg9[%add3A, %dma_start3A_54] : memref<32x32768xf32, #tpu.memory_space<hbm>> -> memref<1x32768xf32, #tpu.memory_space<hbm>>
    %dma_start3A_56 = tpu.memref_squeeze %dma_start3A_55 : memref<1x32768xf32, #tpu.memory_space<hbm>> -> memref<32768xf32, #tpu.memory_space<hbm>>
    %dma_start3A_57 = arith.constant 0 : i32
    %dma_start3A_58 = tpu.memref_slice %arg9[%add3A, %dma_start3A_57] : memref<32x32768xf32, #tpu.memory_space<hbm>> -> memref<1x32768xf32, #tpu.memory_space<hbm>>
    %dma_start3A_59 = tpu.memref_squeeze %dma_start3A_58 : memref<1x32768xf32, #tpu.memory_space<hbm>> -> memref<32768xf32, #tpu.memory_space<hbm>>
    tpu.enqueue_dma source(%arg14 : memref<32768xf32, #tpu.memory_space<vmem>>) target(%dma_start3A_59 : memref<32768xf32, #tpu.memory_space<hbm>>) target_semaphore(%arg19 : memref<!tpu.dma_semaphore, #tpu.memory_space<semaphore_mem>>)
    %barrier3A_60 = arith.constant 0 : index
    tpu.barrier barrier_id(%barrier3A_60)
    "tpu.region"() ({
      %run_scoped3A = tpu.sem_alloc : memref<!tpu.dma_semaphore, #tpu.memory_space<semaphore_mem>>
      %dma_start3A_67 = arith.constant 0 : i32
      %dma_start3A_68 = tpu.memref_slice %arg8[%arg0, %mul3A_15, %dma_start3A_67] : memref<2x2048x128xf32, #tpu.memory_space<hbm>> -> memref<1x128x128xf32, #tpu.memory_space<hbm>>
      %dma_start3A_69 = tpu.memref_squeeze %dma_start3A_68 : memref<1x128x128xf32, #tpu.memory_space<hbm>> -> memref<128x128xf32, #tpu.memory_space<hbm>>
      %dma_start3A_70 = arith.constant 0 : i32
      %dma_start3A_71 = tpu.memref_slice %arg15[%mul3A_15, %dma_start3A_70] : memref<2048x128xf32, #tpu.memory_space<vmem_shared>> -> memref<128x128xf32, #tpu.memory_space<vmem_shared>>
      tpu.enqueue_dma source(%dma_start3A_71 : memref<128x128xf32, #tpu.memory_space<vmem_shared>>) target(%dma_start3A_69 : memref<128x128xf32, #tpu.memory_space<hbm>>) target_semaphore(%run_scoped3A : memref<!tpu.dma_semaphore, #tpu.memory_space<semaphore_mem>>)
      %dma_wait3A_72 = arith.constant 0 : i32
      %dma_wait3A_73 = tpu.memref_slice %arg8[%arg0, %mul3A_15, %dma_wait3A_72] : memref<2x2048x128xf32, #tpu.memory_space<hbm>> -> memref<1x128x128xf32, #tpu.memory_space<hbm>>
      %dma_wait3A_74 = tpu.memref_squeeze %dma_wait3A_73 : memref<1x128x128xf32, #tpu.memory_space<hbm>> -> memref<128x128xf32, #tpu.memory_space<hbm>>
      %dma_wait3A_75 = arith.constant 0 : i32
      %dma_wait3A_76 = tpu.memref_slice %arg15[%mul3A_15, %dma_wait3A_75] : memref<2048x128xf32, #tpu.memory_space<vmem_shared>> -> memref<128x128xf32, #tpu.memory_space<vmem_shared>>
      tpu.wait_dma2 semaphore(%run_scoped3A : memref<!tpu.dma_semaphore, #tpu.memory_space<semaphore_mem>>) src(%dma_wait3A_76 : memref<128x128xf32, #tpu.memory_space<vmem_shared>>) dst(%dma_wait3A_74 : memref<128x128xf32, #tpu.memory_space<hbm>>)
      tpu.yield
    }) : () -> ()
    %dma_wait3A_61 = arith.constant 0 : i32
    %dma_wait3A_62 = tpu.memref_slice %arg9[%add3A, %dma_wait3A_61] : memref<32x32768xf32, #tpu.memory_space<hbm>> -> memref<1x32768xf32, #tpu.memory_space<hbm>>
    %dma_wait3A_63 = tpu.memref_squeeze %dma_wait3A_62 : memref<1x32768xf32, #tpu.memory_space<hbm>> -> memref<32768xf32, #tpu.memory_space<hbm>>
    %dma_wait3A_64 = arith.constant 0 : i32
    %dma_wait3A_65 = tpu.memref_slice %arg9[%add3A, %dma_wait3A_64] : memref<32x32768xf32, #tpu.memory_space<hbm>> -> memref<1x32768xf32, #tpu.memory_space<hbm>>
    %dma_wait3A_66 = tpu.memref_squeeze %dma_wait3A_65 : memref<1x32768xf32, #tpu.memory_space<hbm>> -> memref<32768xf32, #tpu.memory_space<hbm>>
    tpu.wait_dma2 semaphore(%arg19 : memref<!tpu.dma_semaphore, #tpu.memory_space<semaphore_mem>>) src(%arg14 : memref<32768xf32, #tpu.memory_space<vmem>>) dst(%dma_wait3A_66 : memref<32768xf32, #tpu.memory_space<hbm>>)
    return
  }
}

module attributes {stable_mosaic.version = 14 : i64} {
  func.func @body(%arg0: i32, %arg1: memref<2x2048x128xf32, #tpu.memory_space<vmem>>, %arg2: memref<32x32768xf32, #tpu.memory_space<vmem>>, %arg3: memref<2048x128xf32, #tpu.memory_space<vmem>>, %arg4: memref<128x128xf32, #tpu.memory_space<vmem>>, %arg5: memref<128x128xf32, #tpu.memory_space<vmem>>, %arg6: memref<1x128xf32, #tpu.memory_space<vmem>>, %arg7: memref<1x128xf32, #tpu.memory_space<vmem>>, %arg8: memref<2048x128xf32, #tpu.memory_space<vmem>>) attributes {dimension_semantics = [#tpu.dimension_semantics<arbitrary>], iteration_bounds = array<i64: 1>, scalar_prefetch = 0 : i64, scratch_operands = 0 : i64, tpu.core_type = #tpu.core_type<tc>, window_params = [{pipeline_mode = #tpu.pipeline_mode<synchronous>, transform_indices = @transform_0, window_bounds = array<i64: 2, 2048, 128>}, {pipeline_mode = #tpu.pipeline_mode<synchronous>, transform_indices = @transform_1, window_bounds = array<i64: 32, 32768>}, {transform_indices = @transform_2, window_bounds = array<i64: 2048, 128>}, {pipeline_mode = #tpu.pipeline_mode<synchronous>, transform_indices = @transform_3, window_bounds = array<i64: 128, 128>}, {pipeline_mode = #tpu.pipeline_mode<synchronous>, transform_indices = @transform_4, window_bounds = array<i64: 128, 128>}, {pipeline_mode = #tpu.pipeline_mode<synchronous>, transform_indices = @transform_5, window_bounds = array<i64: 1, 128>}, {pipeline_mode = #tpu.pipeline_mode<synchronous>, transform_indices = @transform_6, window_bounds = array<i64: 1, 128>}, {pipeline_mode = #tpu.pipeline_mode<synchronous>, transform_indices = @transform_7, window_bounds = array<i64: 2048, 128>}]} {
    %get3A = arith.constant 0 : index
    %get3A_0 = arith.constant 0 : index
    %get3A_1 = arith.constant 0 : index
    %get3A_2 = vector.load %arg1[%get3A, %get3A_0, %get3A_1] : memref<2x2048x128xf32, #tpu.memory_space<vmem>>, vector<1x2048x128xf32>
    %get3A_3 = vector.shape_cast %get3A_2 : vector<1x2048x128xf32> to vector<2048x128xf32>
    %get3A_4 = arith.constant 1 : index
    %get3A_5 = arith.constant 0 : index
    %get3A_6 = arith.constant 0 : index
    %get3A_7 = vector.load %arg1[%get3A_4, %get3A_5, %get3A_6] : memref<2x2048x128xf32, #tpu.memory_space<vmem>>, vector<1x2048x128xf32>
    %get3A_8 = vector.shape_cast %get3A_7 : vector<1x2048x128xf32> to vector<2048x128xf32>
    %add3A = arith.addf %get3A_3, %get3A_8 : vector<2048x128xf32>
    %get3A_9 = arith.constant 0 : index
    %get3A_10 = arith.constant 0 : index
    %get3A_11 = vector.load %arg2[%get3A_9, %get3A_10] : memref<32x32768xf32, #tpu.memory_space<vmem>>, vector<32x32768xf32>
    %reshape3A = vector.shape_cast %get3A_11 : vector<32x32768xf32> to vector<32x2048x16xf32>
    %reduce_sum3A = arith.constant dense<0.000000e+00> : vector<2048xf32>
    %reduce_sum3A_12 = vector.multi_reduction <add>, %reshape3A, %reduce_sum3A [0, 2] : vector<32x2048x16xf32> to vector<2048xf32>
    %broadcast_in_dim3A = vector.shape_cast %reduce_sum3A_12 : vector<2048xf32> to vector<2048x1xf32>
    %max3A = arith.constant 1.000000e+00 : f32
    %max3A_13 = vector.broadcast %max3A : f32 to vector<2048x1xf32>
    %max3A_14 = arith.maximumf %broadcast_in_dim3A, %max3A_13 : vector<2048x1xf32>
    %div3A = vector.broadcast %max3A_14 : vector<2048x1xf32> to vector<2048x128xf32>
    %div3A_15 = arith.divf %add3A, %div3A : vector<2048x128xf32>
    %get3A_16 = arith.constant 0 : index
    %get3A_17 = arith.constant 0 : index
    %get3A_18 = vector.load %arg4[%get3A_16, %get3A_17] : memref<128x128xf32, #tpu.memory_space<vmem>>, vector<128x128xf32>
    %dot_general3A = arith.constant dense<0.000000e+00> : vector<2048x128xf32>
    %dot_general3A_19 = tpu.matmul %div3A_15, %get3A_18, %dot_general3A {dimension_numbers = #tpu.dot_dimension_numbers<[1], [0], [0], [1], [0, 0, 1, 1], [], []>, transpose_lhs_hint = false} : vector<2048x128xf32>, vector<128x128xf32>, vector<2048x128xf32> -> vector<2048x128xf32>
    %get3A_20 = arith.constant 0 : index
    %get3A_21 = arith.constant 0 : index
    %get3A_22 = vector.load %arg3[%get3A_20, %get3A_21] : memref<2048x128xf32, #tpu.memory_space<vmem>>, vector<2048x128xf32>
    %get3A_23 = arith.constant 0 : index
    %get3A_24 = arith.constant 0 : index
    %get3A_25 = vector.load %arg5[%get3A_23, %get3A_24] : memref<128x128xf32, #tpu.memory_space<vmem>>, vector<128x128xf32>
    %dot_general3A_26 = arith.constant dense<0.000000e+00> : vector<2048x128xf32>
    %dot_general3A_27 = tpu.matmul %get3A_22, %get3A_25, %dot_general3A_26 {dimension_numbers = #tpu.dot_dimension_numbers<[1], [0], [0], [1], [0, 0, 1, 1], [], []>, transpose_lhs_hint = false} : vector<2048x128xf32>, vector<128x128xf32>, vector<2048x128xf32> -> vector<2048x128xf32>
    %add3A_28 = arith.addf %dot_general3A_19, %dot_general3A_27 : vector<2048x128xf32>
    %get3A_29 = arith.constant 0 : index
    %get3A_30 = arith.constant 0 : index
    %get3A_31 = vector.load %arg6[%get3A_29, %get3A_30] : memref<1x128xf32, #tpu.memory_space<vmem>>, vector<1x128xf32>
    %add3A_32 = vector.broadcast %get3A_31 : vector<1x128xf32> to vector<2048x128xf32>
    %add3A_33 = arith.addf %add3A_28, %add3A_32 : vector<2048x128xf32>
    %gt3A = arith.constant 0.000000e+00 : f32
    %gt3A_34 = vector.broadcast %gt3A : f32 to vector<2048x128xf32>
    %gt3A_35 = arith.cmpf ogt, %add3A_33, %gt3A_34 : vector<2048x128xf32>
    %get3A_36 = arith.constant 0 : index
    %get3A_37 = arith.constant 0 : index
    %get3A_38 = vector.load %arg7[%get3A_36, %get3A_37] : memref<1x128xf32, #tpu.memory_space<vmem>>, vector<1x128xf32>
    %mul3A = vector.broadcast %get3A_38 : vector<1x128xf32> to vector<2048x128xf32>
    %mul3A_39 = arith.mulf %mul3A, %add3A_33 : vector<2048x128xf32>
    %select_n3A = arith.select %gt3A_35, %add3A_33, %mul3A_39 : vector<2048x128xi1>, vector<2048x128xf32>
    %swap3A = arith.constant 0 : index
    %swap3A_40 = arith.constant 0 : index
    %swap3A_41 = vector.load %arg8[%swap3A, %swap3A_40] : memref<2048x128xf32, #tpu.memory_space<vmem>>, vector<2048x128xf32>
    tpu.vector_store %arg8[%swap3A, %swap3A_40], %select_n3A {strides = array<i32>} : memref<2048x128xf32, #tpu.memory_space<vmem>>, vector<2048x128xf32>,
    return
  }
  func.func @transform_0(%arg0: i32) -> (i32, i32, i32) {
    %c0_i32 = arith.constant 0 : i32
    %c0_i32_0 = arith.constant 0 : i32
    %c0_i32_1 = arith.constant 0 : i32
    %c0_i32_2 = arith.constant 0 : i32
    return %c0_i32, %c0_i32_0, %c0_i32_1 : i32, i32, i32
  }
  func.func @transform_1(%arg0: i32) -> (i32, i32) {
    %c0_i32 = arith.constant 0 : i32
    %c0_i32_0 = arith.constant 0 : i32
    %c0_i32_1 = arith.constant 0 : i32
    return %c0_i32, %c0_i32_0 : i32, i32
  }
  func.func @transform_2(%arg0: i32) -> (i32, i32) {
    %c0_i32 = arith.constant 0 : i32
    %c0_i32_0 = arith.constant 0 : i32
    %c0_i32_1 = arith.constant 0 : i32
    return %c0_i32, %c0_i32_0 : i32, i32
  }
  func.func @transform_3(%arg0: i32) -> (i32, i32) {
    %c0_i32 = arith.constant 0 : i32
    %c0_i32_0 = arith.constant 0 : i32
    %c0_i32_1 = arith.constant 0 : i32
    return %c0_i32, %c0_i32_0 : i32, i32
  }
  func.func @transform_4(%arg0: i32) -> (i32, i32) {
    %c0_i32 = arith.constant 0 : i32
    %c0_i32_0 = arith.constant 0 : i32
    %c0_i32_1 = arith.constant 0 : i32
    return %c0_i32, %c0_i32_0 : i32, i32
  }
  func.func @transform_5(%arg0: i32) -> (i32, i32) {
    %c0_i32 = arith.constant 0 : i32
    %c0_i32_0 = arith.constant 0 : i32
    %c0_i32_1 = arith.constant 0 : i32
    return %c0_i32, %c0_i32_0 : i32, i32
  }
  func.func @transform_6(%arg0: i32) -> (i32, i32) {
    %c0_i32 = arith.constant 0 : i32
    %c0_i32_0 = arith.constant 0 : i32
    %c0_i32_1 = arith.constant 0 : i32
    return %c0_i32, %c0_i32_0 : i32, i32
  }
  func.func @transform_7(%arg0: i32) -> (i32, i32) {
    %c0_i32 = arith.constant 0 : i32
    %c0_i32_0 = arith.constant 0 : i32
    %c0_i32_1 = arith.constant 0 : i32
    return %c0_i32, %c0_i32_0 : i32, i32
  }
}

module attributes {stable_mosaic.version = 14 : i64} {
  func.func @body(%arg0: i32, %arg1: memref<2x1024x128xf32, #tpu.memory_space<vmem>>, %arg2: memref<32x16384xf32, #tpu.memory_space<vmem>>, %arg3: memref<1024x128xf32, #tpu.memory_space<vmem>>, %arg4: memref<128x128xf32, #tpu.memory_space<vmem>>, %arg5: memref<128x128xf32, #tpu.memory_space<vmem>>, %arg6: memref<1x128xf32, #tpu.memory_space<vmem>>, %arg7: memref<1x128xf32, #tpu.memory_space<vmem>>, %arg8: memref<1024x128xf32, #tpu.memory_space<vmem>>) attributes {dimension_semantics = [#tpu.dimension_semantics<arbitrary>], iteration_bounds = array<i64: 1>, scalar_prefetch = 0 : i64, scratch_operands = 0 : i64, tpu.core_type = #tpu.core_type<tc>, window_params = [{pipeline_mode = #tpu.pipeline_mode<synchronous>, transform_indices = @transform_0, window_bounds = array<i64: 2, 1024, 128>}, {pipeline_mode = #tpu.pipeline_mode<synchronous>, transform_indices = @transform_1, window_bounds = array<i64: 32, 16384>}, {transform_indices = @transform_2, window_bounds = array<i64: 1024, 128>}, {pipeline_mode = #tpu.pipeline_mode<synchronous>, transform_indices = @transform_3, window_bounds = array<i64: 128, 128>}, {pipeline_mode = #tpu.pipeline_mode<synchronous>, transform_indices = @transform_4, window_bounds = array<i64: 128, 128>}, {pipeline_mode = #tpu.pipeline_mode<synchronous>, transform_indices = @transform_5, window_bounds = array<i64: 1, 128>}, {pipeline_mode = #tpu.pipeline_mode<synchronous>, transform_indices = @transform_6, window_bounds = array<i64: 1, 128>}, {pipeline_mode = #tpu.pipeline_mode<synchronous>, transform_indices = @transform_7, window_bounds = array<i64: 1024, 128>}]} {
    %get3A = arith.constant 0 : index
    %get3A_0 = arith.constant 0 : index
    %get3A_1 = arith.constant 0 : index
    %get3A_2 = vector.load %arg1[%get3A, %get3A_0, %get3A_1] : memref<2x1024x128xf32, #tpu.memory_space<vmem>>, vector<1x1024x128xf32>
    %get3A_3 = vector.shape_cast %get3A_2 : vector<1x1024x128xf32> to vector<1024x128xf32>
    %get3A_4 = arith.constant 1 : index
    %get3A_5 = arith.constant 0 : index
    %get3A_6 = arith.constant 0 : index
    %get3A_7 = vector.load %arg1[%get3A_4, %get3A_5, %get3A_6] : memref<2x1024x128xf32, #tpu.memory_space<vmem>>, vector<1x1024x128xf32>
    %get3A_8 = vector.shape_cast %get3A_7 : vector<1x1024x128xf32> to vector<1024x128xf32>
    %add3A = arith.addf %get3A_3, %get3A_8 : vector<1024x128xf32>
    %get3A_9 = arith.constant 0 : index
    %get3A_10 = arith.constant 0 : index
    %get3A_11 = vector.load %arg2[%get3A_9, %get3A_10] : memref<32x16384xf32, #tpu.memory_space<vmem>>, vector<32x16384xf32>
    %reshape3A = vector.shape_cast %get3A_11 : vector<32x16384xf32> to vector<32x1024x16xf32>
    %reduce_sum3A = arith.constant dense<0.000000e+00> : vector<1024xf32>
    %reduce_sum3A_12 = vector.multi_reduction <add>, %reshape3A, %reduce_sum3A [0, 2] : vector<32x1024x16xf32> to vector<1024xf32>
    %broadcast_in_dim3A = vector.shape_cast %reduce_sum3A_12 : vector<1024xf32> to vector<1024x1xf32>
    %max3A = arith.constant 1.000000e+00 : f32
    %max3A_13 = vector.broadcast %max3A : f32 to vector<1024x1xf32>
    %max3A_14 = arith.maximumf %broadcast_in_dim3A, %max3A_13 : vector<1024x1xf32>
    %div3A = vector.broadcast %max3A_14 : vector<1024x1xf32> to vector<1024x128xf32>
    %div3A_15 = arith.divf %add3A, %div3A : vector<1024x128xf32>
    %get3A_16 = arith.constant 0 : index
    %get3A_17 = arith.constant 0 : index
    %get3A_18 = vector.load %arg4[%get3A_16, %get3A_17] : memref<128x128xf32, #tpu.memory_space<vmem>>, vector<128x128xf32>
    %dot_general3A = arith.constant dense<0.000000e+00> : vector<1024x128xf32>
    %dot_general3A_19 = tpu.matmul %div3A_15, %get3A_18, %dot_general3A {dimension_numbers = #tpu.dot_dimension_numbers<[1], [0], [0], [1], [0, 0, 1, 1], [], []>, transpose_lhs_hint = false} : vector<1024x128xf32>, vector<128x128xf32>, vector<1024x128xf32> -> vector<1024x128xf32>
    %get3A_20 = arith.constant 0 : index
    %get3A_21 = arith.constant 0 : index
    %get3A_22 = vector.load %arg3[%get3A_20, %get3A_21] : memref<1024x128xf32, #tpu.memory_space<vmem>>, vector<1024x128xf32>
    %get3A_23 = arith.constant 0 : index
    %get3A_24 = arith.constant 0 : index
    %get3A_25 = vector.load %arg5[%get3A_23, %get3A_24] : memref<128x128xf32, #tpu.memory_space<vmem>>, vector<128x128xf32>
    %dot_general3A_26 = arith.constant dense<0.000000e+00> : vector<1024x128xf32>
    %dot_general3A_27 = tpu.matmul %get3A_22, %get3A_25, %dot_general3A_26 {dimension_numbers = #tpu.dot_dimension_numbers<[1], [0], [0], [1], [0, 0, 1, 1], [], []>, transpose_lhs_hint = false} : vector<1024x128xf32>, vector<128x128xf32>, vector<1024x128xf32> -> vector<1024x128xf32>
    %add3A_28 = arith.addf %dot_general3A_19, %dot_general3A_27 : vector<1024x128xf32>
    %get3A_29 = arith.constant 0 : index
    %get3A_30 = arith.constant 0 : index
    %get3A_31 = vector.load %arg6[%get3A_29, %get3A_30] : memref<1x128xf32, #tpu.memory_space<vmem>>, vector<1x128xf32>
    %add3A_32 = vector.broadcast %get3A_31 : vector<1x128xf32> to vector<1024x128xf32>
    %add3A_33 = arith.addf %add3A_28, %add3A_32 : vector<1024x128xf32>
    %gt3A = arith.constant 0.000000e+00 : f32
    %gt3A_34 = vector.broadcast %gt3A : f32 to vector<1024x128xf32>
    %gt3A_35 = arith.cmpf ogt, %add3A_33, %gt3A_34 : vector<1024x128xf32>
    %get3A_36 = arith.constant 0 : index
    %get3A_37 = arith.constant 0 : index
    %get3A_38 = vector.load %arg7[%get3A_36, %get3A_37] : memref<1x128xf32, #tpu.memory_space<vmem>>, vector<1x128xf32>
    %mul3A = vector.broadcast %get3A_38 : vector<1x128xf32> to vector<1024x128xf32>
    %mul3A_39 = arith.mulf %mul3A, %add3A_33 : vector<1024x128xf32>
    %select_n3A = arith.select %gt3A_35, %add3A_33, %mul3A_39 : vector<1024x128xi1>, vector<1024x128xf32>
    %swap3A = arith.constant 0 : index
    %swap3A_40 = arith.constant 0 : index
    %swap3A_41 = vector.load %arg8[%swap3A, %swap3A_40] : memref<1024x128xf32, #tpu.memory_space<vmem>>, vector<1024x128xf32>
    tpu.vector_store %arg8[%swap3A, %swap3A_40], %select_n3A {strides = array<i32>} : memref<1024x128xf32, #tpu.memory_space<vmem>>, vector<1024x128xf32>,
    return
  }
  func.func @transform_0(%arg0: i32) -> (i32, i32, i32) {
    %c0_i32 = arith.constant 0 : i32
    %c0_i32_0 = arith.constant 0 : i32
    %c0_i32_1 = arith.constant 0 : i32
    %c0_i32_2 = arith.constant 0 : i32
    return %c0_i32, %c0_i32_0, %c0_i32_1 : i32, i32, i32
  }
  func.func @transform_1(%arg0: i32) -> (i32, i32) {
    %c0_i32 = arith.constant 0 : i32
    %c0_i32_0 = arith.constant 0 : i32
    %c0_i32_1 = arith.constant 0 : i32
    return %c0_i32, %c0_i32_0 : i32, i32
  }
  func.func @transform_2(%arg0: i32) -> (i32, i32) {
    %c0_i32 = arith.constant 0 : i32
    %c0_i32_0 = arith.constant 0 : i32
    %c0_i32_1 = arith.constant 0 : i32
    return %c0_i32, %c0_i32_0 : i32, i32
  }
  func.func @transform_3(%arg0: i32) -> (i32, i32) {
    %c0_i32 = arith.constant 0 : i32
    %c0_i32_0 = arith.constant 0 : i32
    %c0_i32_1 = arith.constant 0 : i32
    return %c0_i32, %c0_i32_0 : i32, i32
  }
  func.func @transform_4(%arg0: i32) -> (i32, i32) {
    %c0_i32 = arith.constant 0 : i32
    %c0_i32_0 = arith.constant 0 : i32
    %c0_i32_1 = arith.constant 0 : i32
    return %c0_i32, %c0_i32_0 : i32, i32
  }
  func.func @transform_5(%arg0: i32) -> (i32, i32) {
    %c0_i32 = arith.constant 0 : i32
    %c0_i32_0 = arith.constant 0 : i32
    %c0_i32_1 = arith.constant 0 : i32
    return %c0_i32, %c0_i32_0 : i32, i32
  }
  func.func @transform_6(%arg0: i32) -> (i32, i32) {
    %c0_i32 = arith.constant 0 : i32
    %c0_i32_0 = arith.constant 0 : i32
    %c0_i32_1 = arith.constant 0 : i32
    return %c0_i32, %c0_i32_0 : i32, i32
  }
  func.func @transform_7(%arg0: i32) -> (i32, i32) {
    %c0_i32 = arith.constant 0 : i32
    %c0_i32_0 = arith.constant 0 : i32
    %c0_i32_1 = arith.constant 0 : i32
    return %c0_i32, %c0_i32_0 : i32, i32
  }
}

</mosaic_0001>

<sc_bundles>
// kernel: kernel.6.cloned.1.call-start
scs
__scs_entry_jumppad:
0x0: {  	(pc) =	sbr.rel $0x88, $3  }
0x1: {  	(tag) =	ssettag $0x0;
	lr =	simm.s32 $0x1  }
0x2: {  	[smem:$0x3F94] =	sst lr;
	_ =	strace $0xD0000000  }
0x3: {  	_ = 	snop  }
0x4: {  	_ = 	snop  }
0x5: {  	_ = 	snop  }
0x6: {  	_ = 	snop  }
0x7: {  	_ = 	snop  }
__scs_overlays_trampoline_lowered:
0x8: {  	[smem:$0x3FA3] =	sst s0  }
0x9: {  	[smem:$0x3FA4] =	sst s1  }
0xa: {  	[smem:$0x3FA5] =	sst s2  }
0xb: {  	[smem:$0x3FA6] =	sst s3  }
0xc: {  	[smem:$0x3FA7] =	sst s4  }
0xd: {  	[smem:$0x3FA8] =	sst s5  }
0xe: {  	[smem:$0x3FA9] =	sst s6  }
0xf: {  	[smem:$0x3FAA] =	sst s7  }
0x10: {  	[smem:$0x3FAB] =	sst s8  }
0x11: {  	[smem:$0x3FAC] =	sst s9;
	s0 =	simm.s32 @!p0 $0x0  }
0x12: {  	s1 =	sld [smem:$0x3F92];
	s0 =	simm.s32 @p0 $0x1  }
0x13: {  	[smem:$0x3FAD] =	sst s0;
	s0 =	simm.s32 @!p1 $0x0  }
0x14: {  	s2 =	sld [smem:$0x3F91];
	s0 =	simm.s32 @p1 $0x1  }
0x15: {  	[smem:$0x3FAE] =	sst s0;
	s0 =	simm.s32 @!p2 $0x0  }
0x16: {  	s3 =	sld [smem:$0x3FDB];
	s0 =	simm.s32 @p2 $0x1  }
0x17: {  	s4 =	simm.s32 $0x1BF5;
	[smem:$0x3FB0] =	sst s0  }
0x18: {  	s0 =	sld [smem:$0x3F93];
	_ =	swait.ge [sflag:s4], $0x0  }
0x19: {  	s7 =	sld [smem:$0x3F94]  }
0x1a: {  	s8 =	sadd.s32 $0xFFFFE003, lr  }
0x1b: {  	s9 =	sadd.s32 $0xFFFFFEF7, lr;
	s5 =	simm.s32 $0xFFFFFFFF;
	p2 =	slt.u32 s8, $0xFFFFF086  }
0x1c: {  	p1 =	slt.u32 s9, $0xF7A;
	s5 =	simm.s32 @!p2 $0x0  }
0x1d: {  	s5 =	simm.s32 @p1 $0x1;
	p0 =	seq.s32 s7, s2  }
0x1e: {  	s7 =	smul.u32 @!p0 $0xF7A, s2;
	p2 =	seq.s32 @!p0 s5, $0x0  }
0x1f: {  	s9 =	smul.u32 $0xF7A, s1;
	s8 =	simm.s32 @!p0 $0x1BF5;
	p2 =	por !p2, p0  }
0x20: {  	[sflag:s8] =	ssyncset.s32 @!p0 $0xFFFFF086;
	s6 =	sadd.s32 @!p0 s3, s7;
	s7 =	simm.s32 @!p0 $0x108  }
0x21: {  	s3 =	sadd.s32 s3, s9;
	s6 =	sadd.s32 @!p0 $0x88, s6;
	s7 =	simm.s32 @p2 $0x1082  }
0x22: {  	[simem:s7], [sflag:s8] =	dma.local @!p0 [hbm:s6], $0xF7A  }
0x23: {  	s9 =	sor.u32 $0xD0000000, s2;
	s6 =	simm.s32 $0x108;
	_ =	swait.ge @!p0 [sflag:s8], $0x0  }
0x24: {  	s3 =	sadd.s32 $0x88, s3;
	s6 =	simm.s32 @!p1 $0x1082;
	[sflag:s4] =	ssyncset.s32 $0xFFFFF086  }
0x25: {  	[simem:s6], [sflag:s4] =	dma.local [hbm:s3], $0xF7A  }
0x26: {  	[smem:$0x3F94] =	sst s1;
	(tag) =	ssettag s2;
	_ =	strace s9  }
0x27: {  	s1 =	sld [smem:$0x3FA4]  }
0x28: {  	s2 =	sld [smem:$0x3FA5]  }
0x29: {  	s4 =	sld [smem:$0x3FA7]  }
0x2a: {  	p0 =	seq.s32 s5, $0x0;
	s5 =	sld [smem:$0x3FA8]  }
0x2b: {  	s6 =	sld [smem:$0x3FA9]  }
0x2c: {  	s7 =	sld [smem:$0x3FAA]  }
0x2d: {  	s3 =	simm.s32 $0x108;
	s8 =	sld [smem:$0x3FAB]  }
0x2e: {  	s3 =	simm.s32 @!p0 $0x1082;
	s9 =	sld [smem:$0x3FAC]  }
0x2f: {  	lr =	sadd.s32 s0, s3;
	s0 =	sld [smem:$0x3FA3]  }
0x30: {  	s3 =	sld [smem:$0x3FA6]  }
0x31: {  	[smem:$0x3FAF] =	sst s10  }
0x32: {  	s10 =	sld [smem:$0x3FAD];
	_ =	sdelay $0x3  }
0x33: {  	p0 =	seq.s32 s10, $0x1;
	s10 =	sld [smem:$0x3FAF];
	_ =	sdelay $0x3  }
0x34: {  	[smem:$0x3FAF] =	sst s10  }
0x35: {  	s10 =	sld [smem:$0x3FAE];
	_ =	sdelay $0x3  }
0x36: {  	p1 =	seq.s32 s10, $0x1;
	s10 =	sld [smem:$0x3FAF];
	_ =	sdelay $0x3  }
0x37: {  	[smem:$0x3FAF] =	sst s10  }
0x38: {  	s10 =	sld [smem:$0x3FB0]  }
0x39: {  	_ = 	snop;
	(pc) =	sbr.ind lr, $3  }
0x3a: {  	_ = 	snop  }
0x3b: {  	_ = 	snop  }
0x3c: {  	p2 =	seq.s32 s10, $0x1;
	s10 =	sld [smem:$0x3FAF]  }
0x3d: {  	_ =	shalt  }
0x3e: {  	_ =	shalt  }
0x3f: {  	_ =	shalt  }
0x40: {  	_ =	shalt  }
0x41: {  	_ =	shalt  }
0x42: {  	_ =	shalt  }
0x43: {  	_ =	shalt  }
0x44: {  	_ =	shalt  }
0x45: {  	_ =	shalt  }
0x46: {  	_ =	shalt  }
0x47: {  	_ =	shalt  }
0x48: {  	_ =	shalt  }
0x49: {  	_ =	shalt  }
0x4a: {  	_ =	shalt  }
0x4b: {  	_ =	shalt  }
0x4c: {  	_ =	shalt  }
0x4d: {  	_ =	shalt  }
0x4e: {  	_ =	shalt  }
0x4f: {  	_ =	shalt  }
0x50: {  	_ =	shalt  }
0x51: {  	_ =	shalt  }
0x52: {  	_ =	shalt  }
0x53: {  	_ =	shalt  }
0x54: {  	_ =	shalt  }
0x55: {  	_ =	shalt  }
0x56: {  	_ =	shalt  }
0x57: {  	_ =	shalt  }
0x58: {  	_ =	shalt  }
0x59: {  	_ =	shalt  }
0x5a: {  	_ =	shalt  }
0x5b: {  	_ =	shalt  }
0x5c: {  	_ =	shalt  }
0x5d: {  	_ =	shalt  }
0x5e: {  	_ =	shalt  }
0x5f: {  	_ =	shalt  }
0x60: {  	_ =	shalt  }
0x61: {  	_ =	shalt  }
0x62: {  	_ =	shalt  }
0x63: {  	_ =	shalt  }
0x64: {  	_ =	shalt  }
0x65: {  	_ =	shalt  }
0x66: {  	_ =	shalt  }
0x67: {  	_ =	shalt  }
0x68: {  	_ =	shalt  }
0x69: {  	_ =	shalt  }
0x6a: {  	_ =	shalt  }
0x6b: {  	_ =	shalt  }
0x6c: {  	_ =	shalt  }
0x6d: {  	_ =	shalt  }
0x6e: {  	_ =	shalt  }
0x6f: {  	_ =	shalt  }
0x70: {  	_ =	shalt  }
0x71: {  	_ =	shalt  }
0x72: {  	_ =	shalt  }
0x73: {  	_ =	shalt  }
0x74: {  	_ =	shalt  }
0x75: {  	_ =	shalt  }
0x76: {  	_ =	shalt  }
0x77: {  	_ =	shalt  }
0x78: {  	_ =	shalt  }
0x79: {  	_ =	shalt  }
0x7a: {  	_ =	shalt  }
0x7b: {  	_ =	shalt  }
0x7c: {  	_ =	shalt  }
0x7d: {  	_ =	shalt  }
0x7e: {  	_ =	shalt  }
0x7f: {  	_ =	shalt  }
0x80: {  	_ =	shalt  }
0x81: {  	_ =	shalt  }
0x82: {  	_ =	shalt  }
0x83: {  	_ =	shalt  }
0x84: {  	_ =	shalt  }
0x85: {  	_ =	shalt  }
0x86: {  	_ =	shalt  }
0x87: {  	_ =	shalt  }
.Lfunc_end0:
.L_simem_size_0:
called_computation_lowered:
.L_overlay_start_0:
0x88: {  	s2 =	sld [smem:$0x3FD9]  }
0x89: {  	s3 =	sld [smem:$0x3FFE];
	_ =	sdelay $0x1  }
0x8a: {  	s1 =	srdreg.scid  }
0x8b: {  	s0 =	sand.u32 $0x1, s1  }
0x8c: {  	s17 =	sshll.u32 s0, $0xA;
	s2 =	sadd.s32 s3, s2  }
0x8d: {  	s2 =	sadd.s32 s2, s17  }
0x8e: {  	[smem:$0x3FBB] =	sst s2  }
0x8f: {  	_ = 	snop  }
0x90: {  	s2 =	sld [smem:$0x3FC9]  }
0x91: {  	s18 =	sld [smem:$0x3FC7]  }
0x92: {  	s4 =	sld [smem:$0x3FD0];
	(tm) =	ssettm $0x1  }
0x93: {  	s5 =	sld [smem:$0x3FFB];
	_ =	sdelay $0x3  }
0x94: {  	_ =	strace s5  }
0x95: {  	s5 =	sld [smem:$0x3FFC];
	_ =	sdelay $0x3  }
0x96: {  	_ =	strace s5  }
0x97: {  	s5 =	sld [smem:$0x3FFD];
	_ =	sdelay $0x3  }
0x98: {  	_ =	strace s5  }
0x99: {  	_ =	strace $0x8FFFFFFF  }
0x9a: {  	s19 =	sld [smem:$0x3FDB];
	_ =	sdelay $0x1  }
0x9b: {  	s6 =	simm.s32 $_scs_section_size  }
0x9c: {  	s7 =	simm.s32 $_size__tile_overlayer_lowered;
	s8 =	simm.s32 $_tile_overlayer_lowered  }
0x9d: {  	s22 =	simm.s32 $0x1BFF;
	s21 =	sshll.u32 s8, $0x1;
	s5 =	sadd.s32 s6, s19  }
0x9e: {  	s9 =	simm.s32 $0x0;
	s20 =	sshll.u32 s7, $0x1;
	s7 =	sadd.s32 s21, s5  }
0x9f: {  	[timem:s9], [sflag:s22] =	dma.local [hbm:s7], s20  }
0xa0: {  	_ =	swait.ge [sflag:s22], s20  }
0xa1: {  	s6 =	ssub.s32 $0x0, s20;
	[sflag:s22] =	ssyncset.done $0x0  }
0xa2: {  	[sflag:s22] =	ssyncadd.s32 s6;
	_ =	sdelay $0x1  }
0xa3: {  	s23 =	simm.s32 $0x1B8B  }
0xa4: {  	_ =	swait.ge [sflag:s23], $0x1  }
0xa5: {  	[sflag:s23] =	ssyncset.done $0x0  }
0xa6: {  	s25 =	simm.s32 $0x1B8E;
	s24 =	sld [smem:$0x3FFE];
	[sflag:s23] =	ssyncadd.s32 $0xFFFFFFFF  }
0xa7: {  	s26 =	simm.s32 $execute0_lowered;
	[smem:$0x3FD2] =	sst s25  }
0xa8: {  	s7 =	sshll.u32 s26, $0x1;
	_ =	strace $0x80000046;
	[dreg:$0x1] =	wrdreg $0xFFFFFFFF  }
0xa9: {  	s28 =	simm.s32 $_size_execute0_lowered;
	s5 =	sadd.s32 s5, s7;
	[dreg:$0x0] =	wrdreg $0x0  }
0xaa: {  	s7 =	sshll.u32 s28, $0x1;
	[dreg:$0x2] =	wrdreg s5  }
0xab: {  	[dreg:$0x3] =	wrdreg s7  }
0xac: {  	[dreg:$0x4] =	wrdreg $0xC0  }
0xad: {  	_ =	task [dreg:s9], $0x5FFFF  }
0xae: {  	[dreg:$0x1] =	wrdreg $0xFFFFFFFF  }
0xaf: {  	[dreg:$0x0] =	wrdreg $0x60  }
0xb0: {  	[dreg:$0x2] =	wrdreg s24  }
0xb1: {  	[dreg:$0x3] =	wrdreg s18  }
0xb2: {  	[dreg:$0x4] =	wrdreg s2  }
0xb3: {  	[dreg:$0x5] =	wrdreg s4  }
0xb4: {  	[dreg:$0x6] =	wrdreg $0x177800  }
0xb5: {  	[dreg:$0x7] =	wrdreg $0x9  }
0xb6: {  	_ =	task.clear_ibuf [dreg:s9], $0x8FFFF;
	_ =	strace $0x90000046  }
0xb7: {  	s29 =	simm.s32 $0x9;
	_ =	strace $0x80000048  }
0xb8: {  	_ =	swait.ge [sflag:s29], $0x1  }
0xb9: {  	[sflag:s29] =	ssyncadd.s32 $0xFFFFFFFF  }
0xba: {  	_ =	strace $0x90000048  }
0xbb: {  	_ =	sfence  }
0xbc: {  	s30 =	sld [smem:$0x0];
	_ =	sdelay $0x2  }
0xbd: {  	s31 =	sshll.u32 s1, $0xD;
	s1 =	sshrl.u32 s1, $0x2  }
0xbe: {  	s3 =	sand.u32 $0x4000, s31;
	s1 =	sadd.s32 s1, s30  }
0xbf: {  	s0 =	sor.u32 s3, s0;
	s1 =	sshll.u32 s1, $0x11  }
0xc0: {  	s0 =	sor.u32 s1, s0  }
0xc1: {  	s0 =	sadd.s32 $0x8F2B, s0  }
0xc2: {  	[sflag:s0] =	ssyncadd.remote.s32 $0x1  }
0xc3: {  	_ =	sfence.sel $0xFFFF  }
0xc4: {  	[dreg:$0x0] =	wrdreg $0xFFFFFFFF;
	(pc) =	sbr.abs _section_cstart, $3  }
0xc5: {  	[dreg:$0x1] =	wrdreg $0xFFFFFFFF  }
0xc6: {  	_ =	task.clear_ibuf [dreg:s9], $0x2FFFF;
	_ =	strace $0x9FFFFFFF  }
0xc7: {  	(tm) =	ssettm $0x7FFFFFFF  }
tec
execute0_lowered:
.L_overlay_start_1:
0x0: {  	(tag) =	ssettag $0x1  }
0x1: {  	s0 =	rddreg [dreg:$0x0]  }
0x2: {  	s2 =	rddreg [dreg:$0x1]  }
0x3: {  	s1 =	rddreg [dreg:$0x2];
	s3 =	srdreg.scid  }
0x4: {  	s14 =	stileid.u32;
	s4 =	rddreg [dreg:$0x4];
	s16 =	simm.s32 $0xF780  }
0x5: {  	s18 =	simm.s32 $0x5;
	s19 =	simm.s32 $0x2;
	s20 =	simm.s32 $0x7D  }
0x6: {  	s21 =	simm.s32 $0x7780;
	s22 =	simm.s32 $0x80;
	s23 =	simm.s32 $0xB780  }
0x7: {  	s28 =	simm.s32 $0x400;
	s29 =	simm.s32 $0x0;
	s3 =	sand.u32 $0x1, s3  }
0x8: {  	s5 =	sshll.u32 s14, $0x1;
	s24 =	sshll.u32 s14, $0xB;
	s25 =	sshll.u32 s14, $0xD  }
0x9: {  	s26 =	sshll.u32 s14, $0xE;
	s30 =	sshll.u32 s14, $0x6;
	s10 =	sor.u32 s3, s5  }
0xa: {  	s5 =	simm.s32 $0x0;
	s11 =	sadd.s32 s24, s0;
	s8 =	ssub.s32 $0x2, s3  }
0xb: {  	s3 =	sshll.u32 s3, $0xF;
	s24 =	simm.s32 $0x3;
	s6 =	smul.u32 $0x500, s10  }
0xc: {  	[smem:$0x7FF] =	sst s5;
	s9 =	sshrl.u32 s8, $0x1;
	s12 =	smul.u32 $0x4E2, s10  }
0xd: {  	s10 =	sshll.u32 s10, $0x4;
	s3 =	sadd.s32 s3, s11;
	_ =	strace $0x80000047  }
0xe: {  	s13 =	ssub.s32 s8, s9;
	s9 =	sadd.s32 $0x17600, s11;
	s31 =	sand.u32 $0x70, s10  }
0xf: {  	s10 =	sor.u32 $0x1C05, s30;
	s7 =	sadd.s32 s6, s0;
	s6 =	sand.u32 $0x18000, s25  }
0x10: {  	s8 =	sadd.s32 s2, s12;
	s2 =	sadd.s32 s26, s4;
	s12 =	sadd.s32 $0x3F600, s3  }
0x11: {  	s13 =	smax.u32 s13, $0x1;
	s25 =	simm.s32 $0x4;
	s0 =	sadd.s32 s6, s0  }
0x12: {  	s26 =	simm.s32 $0x1;
	s6 =	sadd.s32 $0x3600, s7;
	s0 =	sadd.s32 s31, s0  }
0x13: {  	v0 =	vlaneseq.u32;
	v1 =	vimm.f32 $1.000000000e+00;
	s7 =	sadd.s32 $0xD600, s7;
	s17 =	sshrl.u32 s2, $0x3;
	s11 =	sadd.s32 $0x1F600, s0  }
.LBB2_1:
0x14: {  	[tilespmem:s5], [sflag:$0x1] =	stream.linear.gather [hbm4b:s6+s5], $0x2800, $0x38;
	[tilespmem:$0x1B780] =	vst v63  }
0x15: {  	s0 =	simm.s32 $0x2800  }
0x16: {  	[tilespmem:s0], [sflag:$0x2] =	stream.linear.gather [hbm4b:s7+s5], $0x2800, $0x38;
	[tilespmem:$0x1B780] =	vst v63  }
0x17: {  	s14 =	simm.s32 $0x5000  }
0x18: {  	[tilespmem:s14], [sflag:$0x3] =	stream.linear.gather [hbm4b:s8+s5], $0x2710, $0x38;
	[tilespmem:$0x1B780] =	vst v63  }
0x19: {  	s15 =	rddreg [dreg:$0x3]  }
0x1a: {  	[tilespmem:s16], [sflag:$0x4] =	stream.linear.gather [hbm4b:s15+s5], $0x8000, $0x38;
	[tilespmem:$0x1B780] =	vst v63  }
0x1b: {  	[spmem:s17], [sflag:s10] =	dma.local [hbm:s9], $0x800  }
0x1c: {  	_ =	swait.ge [sflag:s18], $0x800  }
0x1d: {  	[sflag:s18] =	ssyncset.done $0x0  }
0x1e: {  	[sflag:s18] =	ssyncadd.s32 $0xFFFFF800  }
0x1f: {  	_ =	swait.ge [sflag:s26], $0x2800  }
0x20: {  	[sflag:s26] =	ssyncset.done $0x0  }
0x21: {  	[sflag:s26] =	ssyncadd.s32 $0xFFFFD800  }
0x22: {  	_ =	swait.ge [sflag:s19], $0x2800  }
0x23: {  	[sflag:s19] =	ssyncset.done $0x0  }
0x24: {  	[sflag:s19] =	ssyncadd.s32 $0xFFFFD800  }
0x25: {  	[tilespmem:s21], [sflag:$0x1] =	stream.indirect.gather [hbm4b:s1+s20], $0x80, s5, s20, $0xb8;
	[tilespmem:$0x1B780] =	vst v63  }
0x26: {  	_ = 	snop  }
0x27: {  	[tilespmem:s23], [sflag:$0x2] =	stream.indirect.gather [hbm4b:s1+s20], $0x80, s22, s20, $0xb8;
	[tilespmem:$0x1B780] =	vst v63  }
0x28: {  	_ =	swait.ge [sflag:s24], $0x2710  }
0x29: {  	[sflag:s24] =	ssyncset.done $0x0  }
0x2a: {  	[sflag:s24] =	ssyncadd.s32 $0xFFFFD8F0  }
.Ltmp0:
0x2b: {  	_ =	swait.ge [sflag:s25], $0x8000;
	(pc) =	sbr.rel .LBB2_2-.Ltmp0, $4  }
0x2c: {  	[sflag:s25] =	ssyncset.done $0x0  }
0x2d: {  	[sflag:s25] =	ssyncadd.s32 $0xFFFF8000  }
0x2e: {  	s30 =	simm.s32 $0x100;
	s31 =	simm.s32 $0x2880;
	[bflag:$0x0] =	sbarrier.arrive $0xFFFF  }
0x2f: {  	s2 =	simm.s32 $0x5080;
	s3 =	simm.s32 $0x0;
	s0 =	simm.s32 $0x1  }
.LBB2_3:
0x30: {  	v2 =	vld [tilespmem:s2+$0x10];
	_ =	sdelay $0x4  }
0x31: {  	v2 =	vshll.u32 v2, $0x4  }
0x32: {  	v2 =	vor.u32 v0, v2;
	_ =	sdelay $0x4  }
0x33: {  	[tilespmem:v2+s16+$0x0] =	vst.idx.add.f32.msk $0xffff, v1  }
0x34: {  	v2 =	vld [tilespmem:s2+$0x20];
	_ =	sdelay $0x4  }
0x35: {  	v2 =	vshll.u32 v2, $0x4  }
0x36: {  	v2 =	vor.u32 v0, v2;
	_ =	sdelay $0x4  }
0x37: {  	[tilespmem:v2+s16+$0x0] =	vst.idx.add.f32.msk $0xffff, v1  }
0x38: {  	v2 =	vld [tilespmem:s2+$0x30];
	_ =	sdelay $0x4  }
0x39: {  	v2 =	vshll.u32 v2, $0x4  }
0x3a: {  	v2 =	vor.u32 v0, v2;
	_ =	sdelay $0x4  }
0x3b: {  	[tilespmem:v2+s16+$0x0] =	vst.idx.add.f32.msk $0xffff, v1  }
0x3c: {  	v2 =	vld [tilespmem:s2+$0x40];
	_ =	sdelay $0x4  }
0x3d: {  	v2 =	vshll.u32 v2, $0x4  }
0x3e: {  	v2 =	vor.u32 v0, v2;
	_ =	sdelay $0x4  }
0x3f: {  	[tilespmem:v2+s16+$0x0] =	vst.idx.add.f32.msk $0xffff, v1  }
0x40: {  	v2 =	vld [tilespmem:s2+$0x50];
	_ =	sdelay $0x4  }
0x41: {  	v2 =	vshll.u32 v2, $0x4  }
0x42: {  	v2 =	vor.u32 v0, v2;
	_ =	sdelay $0x4  }
0x43: {  	[tilespmem:v2+s16+$0x0] =	vst.idx.add.f32.msk $0xffff, v1  }
0x44: {  	v2 =	vld [tilespmem:s2+$0x60];
	_ =	sdelay $0x4  }
0x45: {  	v2 =	vshll.u32 v2, $0x4  }
0x46: {  	v2 =	vor.u32 v0, v2;
	_ =	sdelay $0x4  }
0x47: {  	[tilespmem:v2+s16+$0x0] =	vst.idx.add.f32.msk $0xffff, v1  }
0x48: {  	v2 =	vld [tilespmem:s2+$0x70];
	_ =	sdelay $0x4  }
0x49: {  	v2 =	vshll.u32 v2, $0x4  }
0x4a: {  	v2 =	vor.u32 v0, v2;
	_ =	sdelay $0x4  }
0x4b: {  	[tilespmem:v2+s16+$0x0] =	vst.idx.add.f32.msk $0xffff, v1  }
0x4c: {  	_ =	swait.ge [sflag:s25], $0x3E80  }
0x4d: {  	[sflag:s25] =	ssyncset.done $0x0  }
0x4e: {  	[sflag:s25] =	ssyncadd.s32 $0xFFFFC180  }
.LBB2_5:
0x4f: {  	s14 =	sadd.s32 $0x80, s30;
	s3 =	sadd.s32 $0x1, s3;
	s30 =	sadd.s32 $0x100, s30  }
0x50: {  	s31 =	sadd.s32 $0x100, s31;
	s0 =	sadd.s32 $0x2, s0;
	s2 =	sadd.s32 $0x100, s2  }
0x51: {  	[tilespmem:s23], [sflag:$0x2] =	stream.indirect.gather [hbm4b:s1+s20], $0x80, s14, s20, $0xb8;
	[tilespmem:$0x1B780] =	vst v63  }
.LBB2_2:
0x52: {  	_ =	swait.ge [sflag:s26], $0x3E80  }
0x53: {  	[sflag:s26] =	ssyncset.done $0x0  }
0x54: {  	s14 =	sadd.s32 $0xFFFFFF80, s31;
	[sflag:s26] =	ssyncadd.s32 $0xFFFFC180  }
0x55: {  	[spmem:s4] =	stream.indirect.scatter.add.f32 [tilespmem:s21], [sflag:$0x3], $0x80, s14, s20, $0xb8;
	[tilespmem:$0x1B780] =	vst v63  }
0x56: {  	v2 =	vld [tilespmem:s2+$0xFFFFFF80];
	_ =	sdelay $0x4  }
0x57: {  	v2 =	vshll.u32 v2, $0x4  }
0x58: {  	v2 =	vor.u32 v0, v2;
	_ =	sdelay $0x4  }
0x59: {  	p0 =	sgt.u32 s3, $0x26;
	[tilespmem:v2+s16+$0x0] =	vst.idx.add.f32.msk $0xffff, v1  }
0x5a: {  	v2 =	vld @!p0 [tilespmem:s2+$0xFFFFFF90];
	_ =	sdelay $0x4  }
0x5b: {  	v3 =	vlaneseq.u32 @!p0;
	v2 =	vshll.u32 @!p0 v2, $0x4  }
0x5c: {  	v2 =	vor.u32 @!p0 v3, v2;
	_ =	sdelay $0x3  }
0x5d: {  	v4 =	vimm.f32 @!p0 $1.000000000e+00;
	s14 =	simm.s32 @!p0 $0xF780  }
0x5e: {  	[tilespmem:v2+s14+$0x0] =	vst.idx.add.f32.msk @!p0 $0xffff, v4  }
0x5f: {  	v2 =	vld @!p0 [tilespmem:s2+$0xFFFFFFA0];
	_ =	sdelay $0x4  }
0x60: {  	v2 =	vshll.u32 @!p0 v2, $0x4  }
0x61: {  	v2 =	vor.u32 @!p0 v3, v2;
	_ =	sdelay $0x4  }
0x62: {  	[tilespmem:v2+s14+$0x0] =	vst.idx.add.f32.msk @!p0 $0xffff, v4  }
0x63: {  	v2 =	vld @!p0 [tilespmem:s2+$0xFFFFFFB0];
	_ =	sdelay $0x4  }
0x64: {  	v2 =	vshll.u32 @!p0 v2, $0x4  }
0x65: {  	v2 =	vor.u32 @!p0 v3, v2;
	_ =	sdelay $0x4  }
0x66: {  	[tilespmem:v2+s14+$0x0] =	vst.idx.add.f32.msk @!p0 $0xffff, v4  }
0x67: {  	v2 =	vld @!p0 [tilespmem:s2+$0xFFFFFFC0];
	_ =	sdelay $0x4  }
0x68: {  	v2 =	vshll.u32 @!p0 v2, $0x4  }
0x69: {  	v2 =	vor.u32 @!p0 v3, v2;
	_ =	sdelay $0x4  }
0x6a: {  	[tilespmem:v2+s14+$0x0] =	vst.idx.add.f32.msk @!p0 $0xffff, v4  }
0x6b: {  	v2 =	vld @!p0 [tilespmem:s2+$0xFFFFFFD0];
	_ =	sdelay $0x4  }
0x6c: {  	v2 =	vshll.u32 @!p0 v2, $0x4  }
0x6d: {  	v2 =	vor.u32 @!p0 v3, v2;
	_ =	sdelay $0x4  }
0x6e: {  	[tilespmem:v2+s14+$0x0] =	vst.idx.add.f32.msk @!p0 $0xffff, v4  }
0x6f: {  	v2 =	vld @!p0 [tilespmem:s2+$0xFFFFFFE0];
	_ =	sdelay $0x4  }
0x70: {  	v2 =	vshll.u32 @!p0 v2, $0x4  }
0x71: {  	v2 =	vor.u32 @!p0 v3, v2;
	_ =	sdelay $0x4  }
0x72: {  	[tilespmem:v2+s14+$0x0] =	vst.idx.add.f32.msk @!p0 $0xffff, v4  }
0x73: {  	v2 =	vld @!p0 [tilespmem:s2+$0xFFFFFFF0];
	_ =	sdelay $0x4  }
0x74: {  	v2 =	vshll.u32 @!p0 v2, $0x4  }
0x75: {  	v2 =	vor.u32 @!p0 v3, v2;
	_ =	sdelay $0x4  }
0x76: {  	[tilespmem:v2+s14+$0x0] =	vst.idx.add.f32.msk @!p0 $0xffff, v4  }
0x77: {  	_ =	swait.ge [sflag:s24], $0x3E80  }
0x78: {  	p1 =	seq.s32 s3, $0x27;
	[sflag:s24] =	ssyncset.done $0x0  }
0x79: {  	s15 =	simm.s32 @!p1 $0x7780;
	s14 =	simm.s32 @!p1 $0x7D;
	[sflag:s24] =	ssyncadd.s32 $0xFFFFC180  }
0x7a: {  	[tilespmem:s15], [sflag:$0x1] =	stream.indirect.gather @!p1 [hbm4b:s1+s14], $0x80, s30, s14, $0xb8;
	[tilespmem:$0x1B780] =	vst v63  }
0x7b: {  	_ =	swait.ge [sflag:s19], $0x3E80  }
0x7c: {  	[sflag:s19] =	ssyncset.done $0x0  }
0x7d: {  	p2 =	sgt.u32 s0, $0x4E;
	[sflag:s19] =	ssyncadd.s32 $0xFFFFC180  }
0x7e: {  	[spmem:s4] =	stream.indirect.scatter.add.f32 [tilespmem:s23], [sflag:$0x4], $0x80, s31, s20, $0xb8;
	[tilespmem:$0x1B780] =	vst v63  }
0x7f: {  	v2 =	vld @!p2 [tilespmem:s2+$0x0];
	_ =	sdelay $0x4  }
0x80: {  	v3 =	vlaneseq.u32 @!p2;
	v2 =	vshll.u32 @!p2 v2, $0x4  }
0x81: {  	v2 =	vor.u32 @!p2 v3, v2  }
.Ltmp1:
0x82: {  	_ = 	snop;
	(pc) =	sbr.rel @!p0 .LBB2_3-.Ltmp1, $3  }
0x83: {  	_ =	sdelay $0x1  }
0x84: {  	s14 =	simm.s32 @!p2 $0xF780;
	v3 =	vimm.f32 @!p2 $1.000000000e+00  }
0x85: {  	[tilespmem:v2+s14+$0x0] =	vst.idx.add.f32.msk @!p2 $0xffff, v3  }
.Ltmp2:
0x86: {  	(pc) =	sbr.rel @!p1 .LBB2_5-.Ltmp2, $4  }
0x87: {  	_ = 	snop  }
0x88: {  	_ =	swait.ge [sflag:s25], $0x3E80  }
0x89: {  	[sflag:s25] =	ssyncset.done $0x0  }
0x8a: {  	[sflag:s25] =	ssyncadd.s32 $0xFFFFC180  }
0x8b: {  	[hbm4b:s11+s22] =	stream.strided.scatter [tilespmem:s16], [sflag:$0x4], $0x8000, s28, s22, $0x38;
	[tilespmem:$0x1B780] =	vst v63  }
0x8c: {  	s29 =	sadd.s32 $0x1, s29;
	[bflag:$0x0] =	sbarrier.arrive $0xFFFF  }
0x8d: {  	[hbm:s12], [sflag:s10] =	dma.local [spmem:s17], $0x800  }
0x8e: {  	p0 =	sne.s32 s29, s13;
	_ =	swait.ge [sflag:s18], $0x800  }
.Ltmp3:
0x8f: {  	[sflag:s18] =	ssyncset.done $0x0;
	(pc) =	sbr.rel @p0 .LBB2_1-.Ltmp3, $4  }
0x90: {  	[sflag:s18] =	ssyncadd.s32 $0xFFFFF800  }
0x91: {  	_ =	swait.ge [sflag:s25], $0x8000  }
0x92: {  	[sflag:s25] =	ssyncset.done $0x0  }
0x93: {  	[sflag:s25] =	ssyncadd.s32 $0xFFFF8000  }
0x94: {  	_ =	sfence.sel $0x180000  }
0x95: {  	[bflag:$0x0] =	sbarrier.arrive $0xFFFF  }
0x96: {  	_ =	strace $0x90000047  }
0x97: {  	s0 =	stileid.u32;
	[bflag:$0x2] =	sbarrier.arrive $0xFFFF  }
0x98: {  	p0 =	sne.s32 s0, $0x0;
	s0 =	rddreg [dreg:$0x5]  }
0x99: {  	s0 =	sadd.s32 @!p0 $0x100000, s0  }
0x9a: {  	[sflag:s0] =	ssyncadd.tile.s32 @!p0 $0x1;
	_ =	shalt  }
.Lfunc_end2:
_tile_overlayer_lowered:
.L_overlay_start_2:
0x9b: {  	(tag) =	ssettag $0x2  }
0x9c: {  	s0 =	rddreg [dreg:$0x0];
	s2 =	stileid.u32  }
0x9d: {  	s1 =	rddreg [dreg:$0x1];
	p0 =	sne.s32 s2, $0x0  }
0x9e: {  	s3 =	rddreg [dreg:$0x2];
	[bflag:$0x3] =	sbarrier.arrive $0xFFFF;
	s2 =	simm.s32 @!p0 $0x1C05  }
0x9f: {  	[timem:s3], [sflag:s2] =	dma.local @!p0 [hbm:s0], s1  }
0xa0: {  	s0 =	simm.s32 @!p0 $0x5  }
0xa1: {  	_ =	swait.ge @!p0 [sflag:s0], s1  }
0xa2: {  	s1 =	ssub.s32 @!p0 $0x0, s1;
	[sflag:s0] =	ssyncset.done @!p0 $0x0  }
0xa3: {  	[sflag:s0] =	ssyncadd.s32 @!p0 s1  }
0xa4: {  	[bflag:$0x3] =	sbarrier.arrive $0xFFFF  }
0xa5: {  	_ =	shalt  }

// kernel: kernel.9.cloned.1.call-start
scs
__scs_entry_jumppad:
0x0: {  	(pc) =	sbr.rel $0x88, $3  }
0x1: {  	(tag) =	ssettag $0x0;
	lr =	simm.s32 $0x1  }
0x2: {  	[smem:$0x3F94] =	sst lr;
	_ =	strace $0xD0000000  }
0x3: {  	_ = 	snop  }
0x4: {  	_ = 	snop  }
0x5: {  	_ = 	snop  }
0x6: {  	_ = 	snop  }
0x7: {  	_ = 	snop  }
__scs_overlays_trampoline_lowered:
0x8: {  	[smem:$0x3FA3] =	sst s0  }
0x9: {  	[smem:$0x3FA4] =	sst s1  }
0xa: {  	[smem:$0x3FA5] =	sst s2  }
0xb: {  	[smem:$0x3FA6] =	sst s3  }
0xc: {  	[smem:$0x3FA7] =	sst s4  }
0xd: {  	[smem:$0x3FA8] =	sst s5  }
0xe: {  	[smem:$0x3FA9] =	sst s6  }
0xf: {  	[smem:$0x3FAA] =	sst s7  }
0x10: {  	[smem:$0x3FAB] =	sst s8  }
0x11: {  	[smem:$0x3FAC] =	sst s9;
	s0 =	simm.s32 @!p0 $0x0  }
0x12: {  	s1 =	sld [smem:$0x3F92];
	s0 =	simm.s32 @p0 $0x1  }
0x13: {  	[smem:$0x3FAD] =	sst s0;
	s0 =	simm.s32 @!p1 $0x0  }
0x14: {  	s2 =	sld [smem:$0x3F91];
	s0 =	simm.s32 @p1 $0x1  }
0x15: {  	[smem:$0x3FAE] =	sst s0;
	s0 =	simm.s32 @!p2 $0x0  }
0x16: {  	s3 =	sld [smem:$0x3FDB];
	s0 =	simm.s32 @p2 $0x1  }
0x17: {  	s4 =	simm.s32 $0x1BF5;
	[smem:$0x3FB0] =	sst s0  }
0x18: {  	s0 =	sld [smem:$0x3F93];
	_ =	swait.ge [sflag:s4], $0x0  }
0x19: {  	s7 =	sld [smem:$0x3F94]  }
0x1a: {  	s8 =	sadd.s32 $0xFFFFE003, lr  }
0x1b: {  	s9 =	sadd.s32 $0xFFFFFEF7, lr;
	s5 =	simm.s32 $0xFFFFFFFF;
	p2 =	slt.u32 s8, $0xFFFFF086  }
0x1c: {  	p1 =	slt.u32 s9, $0xF7A;
	s5 =	simm.s32 @!p2 $0x0  }
0x1d: {  	s5 =	simm.s32 @p1 $0x1;
	p0 =	seq.s32 s7, s2  }
0x1e: {  	s7 =	smul.u32 @!p0 $0xF7A, s2;
	p2 =	seq.s32 @!p0 s5, $0x0  }
0x1f: {  	s9 =	smul.u32 $0xF7A, s1;
	s8 =	simm.s32 @!p0 $0x1BF5;
	p2 =	por !p2, p0  }
0x20: {  	[sflag:s8] =	ssyncset.s32 @!p0 $0xFFFFF086;
	s6 =	sadd.s32 @!p0 s3, s7;
	s7 =	simm.s32 @!p0 $0x108  }
0x21: {  	s3 =	sadd.s32 s3, s9;
	s6 =	sadd.s32 @!p0 $0x88, s6;
	s7 =	simm.s32 @p2 $0x1082  }
0x22: {  	[simem:s7], [sflag:s8] =	dma.local @!p0 [hbm:s6], $0xF7A  }
0x23: {  	s9 =	sor.u32 $0xD0000000, s2;
	s6 =	simm.s32 $0x108;
	_ =	swait.ge @!p0 [sflag:s8], $0x0  }
0x24: {  	s3 =	sadd.s32 $0x88, s3;
	s6 =	simm.s32 @!p1 $0x1082;
	[sflag:s4] =	ssyncset.s32 $0xFFFFF086  }
0x25: {  	[simem:s6], [sflag:s4] =	dma.local [hbm:s3], $0xF7A  }
0x26: {  	[smem:$0x3F94] =	sst s1;
	(tag) =	ssettag s2;
	_ =	strace s9  }
0x27: {  	s1 =	sld [smem:$0x3FA4]  }
0x28: {  	s2 =	sld [smem:$0x3FA5]  }
0x29: {  	s4 =	sld [smem:$0x3FA7]  }
0x2a: {  	p0 =	seq.s32 s5, $0x0;
	s5 =	sld [smem:$0x3FA8]  }
0x2b: {  	s6 =	sld [smem:$0x3FA9]  }
0x2c: {  	s7 =	sld [smem:$0x3FAA]  }
0x2d: {  	s3 =	simm.s32 $0x108;
	s8 =	sld [smem:$0x3FAB]  }
0x2e: {  	s3 =	simm.s32 @!p0 $0x1082;
	s9 =	sld [smem:$0x3FAC]  }
0x2f: {  	lr =	sadd.s32 s0, s3;
	s0 =	sld [smem:$0x3FA3]  }
0x30: {  	s3 =	sld [smem:$0x3FA6]  }
0x31: {  	[smem:$0x3FAF] =	sst s10  }
0x32: {  	s10 =	sld [smem:$0x3FAD];
	_ =	sdelay $0x3  }
0x33: {  	p0 =	seq.s32 s10, $0x1;
	s10 =	sld [smem:$0x3FAF];
	_ =	sdelay $0x3  }
0x34: {  	[smem:$0x3FAF] =	sst s10  }
0x35: {  	s10 =	sld [smem:$0x3FAE];
	_ =	sdelay $0x3  }
0x36: {  	p1 =	seq.s32 s10, $0x1;
	s10 =	sld [smem:$0x3FAF];
	_ =	sdelay $0x3  }
0x37: {  	[smem:$0x3FAF] =	sst s10  }
0x38: {  	s10 =	sld [smem:$0x3FB0]  }
0x39: {  	_ = 	snop;
	(pc) =	sbr.ind lr, $3  }
0x3a: {  	_ = 	snop  }
0x3b: {  	_ = 	snop  }
0x3c: {  	p2 =	seq.s32 s10, $0x1;
	s10 =	sld [smem:$0x3FAF]  }
0x3d: {  	_ =	shalt  }
0x3e: {  	_ =	shalt  }
0x3f: {  	_ =	shalt  }
0x40: {  	_ =	shalt  }
0x41: {  	_ =	shalt  }
0x42: {  	_ =	shalt  }
0x43: {  	_ =	shalt  }
0x44: {  	_ =	shalt  }
0x45: {  	_ =	shalt  }
0x46: {  	_ =	shalt  }
0x47: {  	_ =	shalt  }
0x48: {  	_ =	shalt  }
0x49: {  	_ =	shalt  }
0x4a: {  	_ =	shalt  }
0x4b: {  	_ =	shalt  }
0x4c: {  	_ =	shalt  }
0x4d: {  	_ =	shalt  }
0x4e: {  	_ =	shalt  }
0x4f: {  	_ =	shalt  }
0x50: {  	_ =	shalt  }
0x51: {  	_ =	shalt  }
0x52: {  	_ =	shalt  }
0x53: {  	_ =	shalt  }
0x54: {  	_ =	shalt  }
0x55: {  	_ =	shalt  }
0x56: {  	_ =	shalt  }
0x57: {  	_ =	shalt  }
0x58: {  	_ =	shalt  }
0x59: {  	_ =	shalt  }
0x5a: {  	_ =	shalt  }
0x5b: {  	_ =	shalt  }
0x5c: {  	_ =	shalt  }
0x5d: {  	_ =	shalt  }
0x5e: {  	_ =	shalt  }
0x5f: {  	_ =	shalt  }
0x60: {  	_ =	shalt  }
0x61: {  	_ =	shalt  }
0x62: {  	_ =	shalt  }
0x63: {  	_ =	shalt  }
0x64: {  	_ =	shalt  }
0x65: {  	_ =	shalt  }
0x66: {  	_ =	shalt  }
0x67: {  	_ =	shalt  }
0x68: {  	_ =	shalt  }
0x69: {  	_ =	shalt  }
0x6a: {  	_ =	shalt  }
0x6b: {  	_ =	shalt  }
0x6c: {  	_ =	shalt  }
0x6d: {  	_ =	shalt  }
0x6e: {  	_ =	shalt  }
0x6f: {  	_ =	shalt  }
0x70: {  	_ =	shalt  }
0x71: {  	_ =	shalt  }
0x72: {  	_ =	shalt  }
0x73: {  	_ =	shalt  }
0x74: {  	_ =	shalt  }
0x75: {  	_ =	shalt  }
0x76: {  	_ =	shalt  }
0x77: {  	_ =	shalt  }
0x78: {  	_ =	shalt  }
0x79: {  	_ =	shalt  }
0x7a: {  	_ =	shalt  }
0x7b: {  	_ =	shalt  }
0x7c: {  	_ =	shalt  }
0x7d: {  	_ =	shalt  }
0x7e: {  	_ =	shalt  }
0x7f: {  	_ =	shalt  }
0x80: {  	_ =	shalt  }
0x81: {  	_ =	shalt  }
0x82: {  	_ =	shalt  }
0x83: {  	_ =	shalt  }
0x84: {  	_ =	shalt  }
0x85: {  	_ =	shalt  }
0x86: {  	_ =	shalt  }
0x87: {  	_ =	shalt  }
.Lfunc_end0:
.L_simem_size_0:
called_computation.1_lowered:
.L_overlay_start_0:
0x88: {  	s2 =	sld [smem:$0x3FD9]  }
0x89: {  	s3 =	sld [smem:$0x3FFE];
	_ =	sdelay $0x1  }
0x8a: {  	s1 =	srdreg.scid  }
0x8b: {  	s0 =	sand.u32 $0x1, s1  }
0x8c: {  	s17 =	sshll.u32 s0, $0xA;
	s2 =	sadd.s32 s3, s2  }
0x8d: {  	s2 =	sadd.s32 s2, s17  }
0x8e: {  	[smem:$0x3FBB] =	sst s2  }
0x8f: {  	_ = 	snop  }
0x90: {  	s2 =	sld [smem:$0x3FC6]  }
0x91: {  	s18 =	sld [smem:$0x3FC5]  }
0x92: {  	s4 =	sld [smem:$0x3FD0];
	(tm) =	ssettm $0x1  }
0x93: {  	s5 =	sld [smem:$0x3FFB];
	_ =	sdelay $0x3  }
0x94: {  	_ =	strace s5  }
0x95: {  	s5 =	sld [smem:$0x3FFC];
	_ =	sdelay $0x3  }
0x96: {  	_ =	strace s5  }
0x97: {  	s5 =	sld [smem:$0x3FFD];
	_ =	sdelay $0x3  }
0x98: {  	_ =	strace s5  }
0x99: {  	_ =	strace $0x8FFFFFFF  }
0x9a: {  	s19 =	sld [smem:$0x3FDB];
	_ =	sdelay $0x1  }
0x9b: {  	s6 =	simm.s32 $_scs_section_size  }
0x9c: {  	s7 =	simm.s32 $_size__tile_overlayer_lowered;
	s8 =	simm.s32 $_tile_overlayer_lowered  }
0x9d: {  	s22 =	simm.s32 $0x1BFF;
	s21 =	sshll.u32 s8, $0x1;
	s5 =	sadd.s32 s6, s19  }
0x9e: {  	s9 =	simm.s32 $0x0;
	s20 =	sshll.u32 s7, $0x1;
	s7 =	sadd.s32 s21, s5  }
0x9f: {  	[timem:s9], [sflag:s22] =	dma.local [hbm:s7], s20  }
0xa0: {  	_ =	swait.ge [sflag:s22], s20  }
0xa1: {  	s6 =	ssub.s32 $0x0, s20;
	[sflag:s22] =	ssyncset.done $0x0  }
0xa2: {  	[sflag:s22] =	ssyncadd.s32 s6;
	_ =	sdelay $0x1  }
0xa3: {  	s23 =	simm.s32 $0x1B8B  }
0xa4: {  	_ =	swait.ge [sflag:s23], $0x1  }
0xa5: {  	[sflag:s23] =	ssyncset.done $0x0  }
0xa6: {  	s25 =	simm.s32 $0x1B8E;
	s24 =	sld [smem:$0x3FFE];
	[sflag:s23] =	ssyncadd.s32 $0xFFFFFFFF  }
0xa7: {  	s26 =	simm.s32 $execute0_lowered;
	[smem:$0x3FD2] =	sst s25  }
0xa8: {  	s7 =	sshll.u32 s26, $0x1;
	_ =	strace $0x80000049;
	[dreg:$0x1] =	wrdreg $0xFFFFFFFF  }
0xa9: {  	s28 =	simm.s32 $_size_execute0_lowered;
	s5 =	sadd.s32 s5, s7;
	[dreg:$0x0] =	wrdreg $0x0  }
0xaa: {  	s7 =	sshll.u32 s28, $0x1;
	[dreg:$0x2] =	wrdreg s5  }
0xab: {  	[dreg:$0x3] =	wrdreg s7  }
0xac: {  	[dreg:$0x4] =	wrdreg $0xC0  }
0xad: {  	_ =	task [dreg:s9], $0x5FFFF  }
0xae: {  	[dreg:$0x1] =	wrdreg $0xFFFFFFFF  }
0xaf: {  	[dreg:$0x0] =	wrdreg $0x60  }
0xb0: {  	[dreg:$0x2] =	wrdreg s2  }
0xb1: {  	[dreg:$0x3] =	wrdreg s18  }
0xb2: {  	[dreg:$0x4] =	wrdreg s24  }
0xb3: {  	[dreg:$0x5] =	wrdreg s4  }
0xb4: {  	[dreg:$0x6] =	wrdreg $0xD0000  }
0xb5: {  	[dreg:$0x7] =	wrdreg $0x9  }
0xb6: {  	_ =	task.clear_ibuf [dreg:s9], $0x8FFFF;
	_ =	strace $0x90000049  }
0xb7: {  	s29 =	simm.s32 $0x9;
	_ =	strace $0x8000004B  }
0xb8: {  	_ =	swait.ge [sflag:s29], $0x1  }
0xb9: {  	[sflag:s29] =	ssyncadd.s32 $0xFFFFFFFF  }
0xba: {  	_ =	strace $0x9000004B  }
0xbb: {  	_ =	sfence  }
0xbc: {  	s30 =	sld [smem:$0x0];
	_ =	sdelay $0x2  }
0xbd: {  	s31 =	sshll.u32 s1, $0xD;
	s1 =	sshrl.u32 s1, $0x2  }
0xbe: {  	s3 =	sand.u32 $0x4000, s31;
	s1 =	sadd.s32 s1, s30  }
0xbf: {  	s0 =	sor.u32 s3, s0;
	s1 =	sshll.u32 s1, $0x11  }
0xc0: {  	s0 =	sor.u32 s1, s0  }
0xc1: {  	s0 =	sadd.s32 $0x8F2B, s0  }
0xc2: {  	[sflag:s0] =	ssyncadd.remote.s32 $0x1  }
0xc3: {  	_ =	sfence.sel $0xFFFF  }
0xc4: {  	[dreg:$0x0] =	wrdreg $0xFFFFFFFF;
	(pc) =	sbr.abs _section_cstart, $3  }
0xc5: {  	[dreg:$0x1] =	wrdreg $0xFFFFFFFF  }
0xc6: {  	_ =	task.clear_ibuf [dreg:s9], $0x2FFFF;
	_ =	strace $0x9FFFFFFF  }
0xc7: {  	(tm) =	ssettm $0x7FFFFFFF  }
tec
execute0_lowered:
.L_overlay_start_1:
0x0: {  	(tag) =	ssettag $0x1  }
0x1: {  	s6 =	rddreg [dreg:$0x0]  }
0x2: {  	s7 =	rddreg [dreg:$0x1]  }
0x3: {  	s8 =	rddreg [dreg:$0x2]  }
0x4: {  	s9 =	rddreg [dreg:$0x3]  }
0x5: {  	s1 =	rddreg [dreg:$0x4]  }
0x6: {  	s0 =	rddreg [dreg:$0x5]  }
0x7: {  	s3 =	simm.s32 $0x0;
	s2 =	stileid.u32;
	s11 =	srdreg.scid  }
0x8: {  	s18 =	simm.s32 $0x2;
	s19 =	simm.s32 $0x80;
	s20 =	simm.s32 $0x1000  }
0x9: {  	s21 =	simm.s32 $0x5000;
	s22 =	simm.s32 $0x4;
	s23 =	simm.s32 $0x3  }
0xa: {  	s24 =	simm.s32 $0x400;
	s25 =	simm.s32 $0x0;
	[smem:$0x7FF] =	sst s3  }
0xb: {  	s4 =	sadd.s32 $0x3600, s8;
	s5 =	sadd.s32 $0xB600, s8;
	s10 =	sshll.u32 s2, $0xA  }
0xc: {  	s11 =	sand.u32 $0x1, s11;
	s13 =	sshll.u32 s2, $0x1;
	s14 =	sshll.u32 s2, $0xC  }
0xd: {  	s28 =	sshll.u32 s2, $0xD;
	s31 =	sshll.u32 s2, $0x6;
	_ =	strace $0x8000004A  }
0xe: {  	s12 =	sadd.s32 s10, s8;
	s15 =	ssub.s32 $0x2, s11;
	s13 =	sor.u32 s11, s13  }
0xf: {  	s14 =	sand.u32 $0xC000, s14;
	s29 =	sadd.s32 s28, s1;
	s11 =	sshll.u32 s11, $0xE  }
0x10: {  	s16 =	sshrl.u32 s15, $0x1;
	s17 =	sshll.u32 s13, $0x8;
	s14 =	sadd.s32 s14, s8  }
0x11: {  	s13 =	sshll.u32 s13, $0x4;
	s8 =	sadd.s32 s9, s10;
	s9 =	sor.u32 $0x1C05, s31  }
.Ltmp0:
0x12: {  	s11 =	sadd.s32 s11, s12;
	s15 =	ssub.s32 s15, s16;
	(pc) =	sbr.rel .LBB2_1-.Ltmp0, $4  }
0x13: {  	s6 =	sadd.s32 s6, s17;
	s7 =	sadd.s32 s7, s17;
	s30 =	sand.u32 $0x70, s13  }
0x14: {  	s11 =	sadd.s32 $0x1BE00, s11;
	s16 =	simm.s32 $0x5;
	s17 =	simm.s32 $0x1  }
0x15: {  	s13 =	sadd.s32 s30, s14;
	s12 =	smax.u32 s15, $0x1;
	s14 =	simm.s32 $0x9000  }
0x16: {  	v0 =	vlaneseq.u32;
	v1 =	vimm.f32 $1.000000000e+00;
	s15 =	sshrl.u32 s29, $0x3;
	s10 =	sadd.s32 $0xBE00, s13;
	s13 =	simm.s32 $0x800  }
.LBB2_4:
0x17: {  	[hbm4b:s10+s19] =	stream.strided.scatter [tilespmem:s14], [sflag:$0x4], $0x4000, s24, s19, $0x38;
	[tilespmem:$0xF000] =	vst v63  }
0x18: {  	s25 =	sadd.s32 $0x1, s25;
	[bflag:$0x0] =	sbarrier.arrive $0xFFFF  }
0x19: {  	[hbm:s11], [sflag:s9] =	dma.local [spmem:s15], $0x400  }
0x1a: {  	p0 =	sne.s32 s25, s12;
	_ =	swait.ge [sflag:s16], $0x400  }
.Ltmp1:
0x1b: {  	[sflag:s16] =	ssyncset.done $0x0;
	(pc) =	sbr.rel @!p0 .LBB2_5-.Ltmp1, $4  }
0x1c: {  	[sflag:s16] =	ssyncadd.s32 $0xFFFFFC00  }
0x1d: {  	_ =	swait.ge [sflag:s22], $0x4000  }
0x1e: {  	[sflag:s22] =	ssyncset.done $0x0  }
0x1f: {  	[sflag:s22] =	ssyncadd.s32 $0xFFFFC000  }
.LBB2_1:
0x20: {  	[tilespmem:s3], [sflag:$0x1] =	stream.linear.gather [hbm4b:s6+s3], $0x800, $0x38;
	[tilespmem:$0xF000] =	vst v63  }
0x21: {  	_ = 	snop  }
0x22: {  	[tilespmem:s13], [sflag:$0x2] =	stream.linear.gather [hbm4b:s7+s3], $0x800, $0x38;
	[tilespmem:$0xF000] =	vst v63  }
0x23: {  	_ = 	snop  }
0x24: {  	[tilespmem:s14], [sflag:$0x4] =	stream.linear.gather [hbm4b:s5+s3], $0x4000, $0x38;
	[tilespmem:$0xF000] =	vst v63  }
0x25: {  	[spmem:s15], [sflag:s9] =	dma.local [hbm:s8], $0x400  }
0x26: {  	_ =	swait.ge [sflag:s16], $0x400  }
0x27: {  	[sflag:s16] =	ssyncset.done $0x0  }
0x28: {  	[sflag:s16] =	ssyncadd.s32 $0xFFFFFC00  }
0x29: {  	_ =	swait.ge [sflag:s17], $0x800  }
0x2a: {  	[sflag:s17] =	ssyncset.done $0x0  }
0x2b: {  	[sflag:s17] =	ssyncadd.s32 $0xFFFFF800  }
0x2c: {  	_ =	swait.ge [sflag:s18], $0x800  }
0x2d: {  	[sflag:s18] =	ssyncset.done $0x0  }
0x2e: {  	[sflag:s18] =	ssyncadd.s32 $0xFFFFF800  }
0x2f: {  	[tilespmem:s20], [sflag:$0x1] =	stream.indirect.gather [hbm4b:s4+s19], $0x80, s3, s19, $0xb8;
	[tilespmem:$0xF000] =	vst v63  }
0x30: {  	_ = 	snop  }
0x31: {  	[tilespmem:s21], [sflag:$0x2] =	stream.indirect.gather [hbm4b:s4+s19], $0x80, s19, s19, $0xb8;
	[tilespmem:$0xF000] =	vst v63  }
0x32: {  	_ =	swait.ge [sflag:s22], $0x4000  }
0x33: {  	[sflag:s22] =	ssyncset.done $0x0  }
0x34: {  	[sflag:s22] =	ssyncadd.s32 $0xFFFFC000  }
0x35: {  	s26 =	simm.s32 $0x0;
	[bflag:$0x0] =	sbarrier.arrive $0xFFFF  }
.LBB2_2:
0x36: {  	_ =	swait.ge [sflag:s17], $0x4000  }
0x37: {  	s28 =	sshra.s32 s26, $0x2;
	[sflag:s17] =	ssyncset.done $0x0  }
0x38: {  	s29 =	sadd.s32 $0x800, s28;
	[sflag:s17] =	ssyncadd.s32 $0xFFFFC000  }
0x39: {  	[spmem:s1] =	stream.indirect.scatter.add.f32 [tilespmem:s20], [sflag:$0x3], $0x80, s29, s19, $0xb8;
	[tilespmem:$0xF000] =	vst v63  }
0x3a: {  	v2 =	vld [tilespmem:s28+$0x800];
	_ =	sdelay $0x4  }
0x3b: {  	v2 =	vshll.u32 v2, $0x4  }
0x3c: {  	v2 =	vor.u32 v0, v2;
	_ =	sdelay $0x4  }
0x3d: {  	[tilespmem:v2+s14+$0x0] =	vst.idx.add.f32.msk $0xffff, v1  }
0x3e: {  	v2 =	vld [tilespmem:s28+$0x810];
	_ =	sdelay $0x4  }
0x3f: {  	v2 =	vshll.u32 v2, $0x4  }
0x40: {  	v2 =	vor.u32 v0, v2;
	_ =	sdelay $0x4  }
0x41: {  	[tilespmem:v2+s14+$0x0] =	vst.idx.add.f32.msk $0xffff, v1  }
0x42: {  	v2 =	vld [tilespmem:s28+$0x820];
	_ =	sdelay $0x4  }
0x43: {  	v2 =	vshll.u32 v2, $0x4  }
0x44: {  	v2 =	vor.u32 v0, v2;
	_ =	sdelay $0x4  }
0x45: {  	[tilespmem:v2+s14+$0x0] =	vst.idx.add.f32.msk $0xffff, v1  }
0x46: {  	v2 =	vld [tilespmem:s28+$0x830];
	_ =	sdelay $0x4  }
0x47: {  	v2 =	vshll.u32 v2, $0x4  }
0x48: {  	v2 =	vor.u32 v0, v2;
	_ =	sdelay $0x4  }
0x49: {  	[tilespmem:v2+s14+$0x0] =	vst.idx.add.f32.msk $0xffff, v1  }
0x4a: {  	v2 =	vld [tilespmem:s28+$0x840];
	_ =	sdelay $0x4  }
0x4b: {  	v2 =	vshll.u32 v2, $0x4  }
0x4c: {  	v2 =	vor.u32 v0, v2;
	_ =	sdelay $0x4  }
0x4d: {  	[tilespmem:v2+s14+$0x0] =	vst.idx.add.f32.msk $0xffff, v1  }
0x4e: {  	v2 =	vld [tilespmem:s28+$0x850];
	_ =	sdelay $0x4  }
0x4f: {  	v2 =	vshll.u32 v2, $0x4  }
0x50: {  	v2 =	vor.u32 v0, v2;
	_ =	sdelay $0x4  }
0x51: {  	[tilespmem:v2+s14+$0x0] =	vst.idx.add.f32.msk $0xffff, v1  }
0x52: {  	v2 =	vld [tilespmem:s28+$0x860];
	_ =	sdelay $0x4  }
0x53: {  	v2 =	vshll.u32 v2, $0x4  }
0x54: {  	v2 =	vor.u32 v0, v2;
	_ =	sdelay $0x4  }
0x55: {  	[tilespmem:v2+s14+$0x0] =	vst.idx.add.f32.msk $0xffff, v1  }
0x56: {  	v2 =	vld [tilespmem:s28+$0x870];
	_ =	sdelay $0x4  }
0x57: {  	v2 =	vshll.u32 v2, $0x4  }
0x58: {  	v2 =	vor.u32 v0, v2;
	_ =	sdelay $0x4  }
0x59: {  	[tilespmem:v2+s14+$0x0] =	vst.idx.add.f32.msk $0xffff, v1  }
0x5a: {  	p0 =	seq.s32 s26, $0x1C00;
	_ =	swait.ge [sflag:s23], $0x4000  }
0x5b: {  	s30 =	simm.s32 @!p0 $0x80;
	s29 =	sshra.s32 @!p0 s26, $0x2;
	[sflag:s23] =	ssyncset.done $0x0  }
0x5c: {  	s31 =	simm.s32 @!p0 $0x1000;
	s29 =	sadd.s32 @!p0 $0x100, s29;
	[sflag:s23] =	ssyncadd.s32 $0xFFFFC000  }
0x5d: {  	[tilespmem:s31], [sflag:$0x1] =	stream.indirect.gather @!p0 [hbm4b:s4+s30], $0x80, s29, s30, $0xb8;
	[tilespmem:$0xF000] =	vst v63  }
0x5e: {  	_ =	swait.ge [sflag:s18], $0x4000  }
0x5f: {  	[sflag:s18] =	ssyncset.done $0x0  }
0x60: {  	s31 =	sadd.s32 $0x880, s28;
	[sflag:s18] =	ssyncadd.s32 $0xFFFFC000  }
0x61: {  	[spmem:s1] =	stream.indirect.scatter.add.f32 [tilespmem:s21], [sflag:$0x4], $0x80, s31, s19, $0xb8;
	[tilespmem:$0xF000] =	vst v63  }
0x62: {  	v2 =	vld [tilespmem:s28+$0x880];
	_ =	sdelay $0x4  }
0x63: {  	v2 =	vshll.u32 v2, $0x4  }
0x64: {  	v2 =	vor.u32 v0, v2;
	_ =	sdelay $0x4  }
0x65: {  	[tilespmem:v2+s14+$0x0] =	vst.idx.add.f32.msk $0xffff, v1  }
0x66: {  	v2 =	vld [tilespmem:s28+$0x890];
	_ =	sdelay $0x4  }
0x67: {  	v2 =	vshll.u32 v2, $0x4  }
0x68: {  	v2 =	vor.u32 v0, v2;
	_ =	sdelay $0x4  }
0x69: {  	[tilespmem:v2+s14+$0x0] =	vst.idx.add.f32.msk $0xffff, v1  }
0x6a: {  	v2 =	vld [tilespmem:s28+$0x8A0];
	_ =	sdelay $0x4  }
0x6b: {  	v2 =	vshll.u32 v2, $0x4  }
0x6c: {  	v2 =	vor.u32 v0, v2;
	_ =	sdelay $0x4  }
0x6d: {  	[tilespmem:v2+s14+$0x0] =	vst.idx.add.f32.msk $0xffff, v1  }
0x6e: {  	v2 =	vld [tilespmem:s28+$0x8B0];
	_ =	sdelay $0x4  }
0x6f: {  	v2 =	vshll.u32 v2, $0x4  }
0x70: {  	v2 =	vor.u32 v0, v2;
	_ =	sdelay $0x4  }
0x71: {  	[tilespmem:v2+s14+$0x0] =	vst.idx.add.f32.msk $0xffff, v1  }
0x72: {  	v2 =	vld [tilespmem:s28+$0x8C0];
	_ =	sdelay $0x4  }
0x73: {  	v2 =	vshll.u32 v2, $0x4  }
0x74: {  	v2 =	vor.u32 v0, v2;
	_ =	sdelay $0x4  }
0x75: {  	[tilespmem:v2+s14+$0x0] =	vst.idx.add.f32.msk $0xffff, v1  }
0x76: {  	v2 =	vld [tilespmem:s28+$0x8D0];
	_ =	sdelay $0x4  }
0x77: {  	v2 =	vshll.u32 v2, $0x4  }
0x78: {  	v2 =	vor.u32 v0, v2;
	_ =	sdelay $0x4  }
0x79: {  	[tilespmem:v2+s14+$0x0] =	vst.idx.add.f32.msk $0xffff, v1  }
0x7a: {  	v2 =	vld [tilespmem:s28+$0x8E0];
	_ =	sdelay $0x4  }
0x7b: {  	v2 =	vshll.u32 v2, $0x4  }
0x7c: {  	v2 =	vor.u32 v0, v2;
	_ =	sdelay $0x4  }
0x7d: {  	[tilespmem:v2+s14+$0x0] =	vst.idx.add.f32.msk $0xffff, v1  }
0x7e: {  	v2 =	vld [tilespmem:s28+$0x8F0];
	_ =	sdelay $0x4  }
0x7f: {  	v2 =	vshll.u32 v2, $0x4  }
0x80: {  	v2 =	vor.u32 v0, v2;
	_ =	sdelay $0x3  }
.Ltmp2:
0x81: {  	_ = 	snop;
	(pc) =	sbr.rel @p0 .LBB2_4-.Ltmp2, $4  }
0x82: {  	[tilespmem:v2+s14+$0x0] =	vst.idx.add.f32.msk $0xffff, v1  }
0x83: {  	_ =	swait.ge [sflag:s22], $0x4000  }
0x84: {  	[sflag:s22] =	ssyncset.done $0x0  }
0x85: {  	[sflag:s22] =	ssyncadd.s32 $0xFFFFC000  }
.Ltmp3:
0x86: {  	(pc) =	sbr.rel .LBB2_2-.Ltmp3, $3  }
0x87: {  	_ =	sdelay $0x1  }
0x88: {  	s28 =	sadd.s32 $0x180, s28;
	s26 =	sadd.s32 $0x400, s26  }
0x89: {  	[tilespmem:s21], [sflag:$0x2] =	stream.indirect.gather [hbm4b:s4+s19], $0x80, s28, s19, $0xb8;
	[tilespmem:$0xF000] =	vst v63  }
.LBB2_5:
0x8a: {  	_ =	sfence.sel $0x180000  }
0x8b: {  	[bflag:$0x0] =	sbarrier.arrive $0xFFFF  }
0x8c: {  	p0 =	sne.s32 s2, $0x0;
	_ =	strace $0x9000004A  }
0x8d: {  	s0 =	sadd.s32 @!p0 $0x100000, s0;
	[bflag:$0x2] =	sbarrier.arrive $0xFFFF  }
0x8e: {  	[sflag:s0] =	ssyncadd.tile.s32 @!p0 $0x1;
	_ =	shalt  }
.Lfunc_end2:
_tile_overlayer_lowered:
.L_overlay_start_2:
0x8f: {  	(tag) =	ssettag $0x2  }
0x90: {  	s0 =	rddreg [dreg:$0x0];
	s2 =	stileid.u32  }
0x91: {  	s1 =	rddreg [dreg:$0x1];
	p0 =	sne.s32 s2, $0x0  }
0x92: {  	s3 =	rddreg [dreg:$0x2];
	[bflag:$0x3] =	sbarrier.arrive $0xFFFF;
	s2 =	simm.s32 @!p0 $0x1C05  }
0x93: {  	[timem:s3], [sflag:s2] =	dma.local @!p0 [hbm:s0], s1  }
0x94: {  	s0 =	simm.s32 @!p0 $0x5  }
0x95: {  	_ =	swait.ge @!p0 [sflag:s0], s1  }
0x96: {  	s1 =	ssub.s32 @!p0 $0x0, s1;
	[sflag:s0] =	ssyncset.done @!p0 $0x0  }
0x97: {  	[sflag:s0] =	ssyncadd.s32 @!p0 s1  }
0x98: {  	[bflag:$0x3] =	sbarrier.arrive $0xFFFF  }
0x99: {  	_ =	shalt  }

</sc_bundles>
